<compile_context>
chip_gen: v7x
topology: tpu7x:2x2x1
jax: 0.10.2.dev20260603
libtpu: 0.0.44.dev20260713+nightly
codegen_flags: <defaults>
</compile_context>

<pallas_src>
import jax
import jax.numpy as jnp
from jax import lax
from jax.experimental import pallas as pl
from jax.experimental.pallas import tpu as pltpu
from jax.experimental.pallas import tpu_sc as plsc

B = 8
N = 20000
C = 80
MAXDET = 100
NCHUNK = N // 16
SELPAD = 112
NFETCH = 104

_NEG = -1.0
_CONF = 0.5
_BIG = 1 << 30



def _scores_body(cls_ref, out_ref):
    s = jnp.max(cls_ref[0], axis=1)
    out_ref[...] = jnp.where(s > _CONF, s, _NEG).reshape(1, 1, N)


def _compute_scores(cls3d):
    return pl.pallas_call(
        _scores_body,
        grid=(B,),
        in_specs=[pl.BlockSpec((1, N, C), lambda b: (b, 0, 0))],
        out_specs=pl.BlockSpec((1, 1, N), lambda b: (b, 0, 0)),
        out_shape=jax.ShapeDtypeStruct((B, 1, N), jnp.float32),
    )(cls3d)



def _sc_body(boxes_hbm, scores_hbm, cls_hbm, box_out, idx_out, cls_out,
             boxes_v, scores_v, sel_v, maskf_v, idx_v, rows_v, boxout_v,
             clsidx_v, st_v, sem):
    lanes = lax.broadcasted_iota(jnp.int32, (16,), 0)
    wid = lax.axis_index("s") * 2 + lax.axis_index("c")

    @pl.when(wid < B)
    def _run():
        b = wid
        lanes4 = lanes * 4
        coord = lanes & 3
        pltpu.sync_copy(boxes_hbm.at[b], boxes_v)
        pltpu.sync_copy(scores_hbm.at[b], scores_v)

        st_v[pl.ds(0, 16)] = jnp.where(lanes == 2, jnp.int32(-1),
                                       jnp.int32(0))

        def argmax_scores():
            def chunk(i, carry):
                best, besti = carry
                v = scores_v[0, pl.ds(i * 16, 16)]
                gi = i * 16 + lanes
                m = v > best
                return jnp.where(m, v, best), jnp.where(m, gi, besti)

            best, besti = lax.fori_loop(
                0, NCHUNK, chunk,
                (jnp.full((16,), -2.0, jnp.float32),
                 jnp.zeros((16,), jnp.int32)))
            mx = jnp.max(best)
            pick = jnp.min(jnp.where(best == mx, besti, _BIG))
            return mx, pick

        def nms_iter(_, c):
            st = st_v[pl.ds(0, 16)]
            k = st[0]
            done = st[1]

            @pl.when(done == 0)
            def _active():
                mx, pick = argmax_scores()
                have = mx > _CONF
                pickv = jnp.full((16,), pick, jnp.int32)
                pb = plsc.load_gather(boxes_v, [pick * 4 + coord])
                y1 = jnp.max(jnp.where(lanes == 0, pb, -9.0))
                x1 = jnp.max(jnp.where(lanes == 1, pb, -9.0))
                y2 = jnp.max(jnp.where(lanes == 2, pb, -9.0))
                x2 = jnp.max(jnp.where(lanes == 3, pb, -9.0))
                area = (jnp.maximum(y2 - y1, 0.0)
                        * jnp.maximum(x2 - x1, 0.0))
                degen = area == 0.0

                @pl.when(have & (~degen))
                def _select_and_suppress():
                    plsc.store_scatter(sel_v,
                                       [jnp.full((16,), k, jnp.int32)],
                                       pickv, mask=lanes == 0)

                    def sup(i, _):
                        ds = pl.ds(i * 16, 16)
                        il4 = i * 64 + lanes4
                        Y1 = plsc.load_gather(boxes_v, [il4])
                        X1 = plsc.load_gather(boxes_v, [il4 + 1])
                        Y2 = plsc.load_gather(boxes_v, [il4 + 2])
                        X2 = plsc.load_gather(boxes_v, [il4 + 3])
                        yy1 = jnp.maximum(y1, Y1)
                        xx1 = jnp.maximum(x1, X1)
                        yy2 = jnp.minimum(y2, Y2)
                        xx2 = jnp.minimum(x2, X2)
                        inter = (jnp.maximum(yy2 - yy1, 0.0)
                                 * jnp.maximum(xx2 - xx1, 0.0))
                        area2 = (jnp.maximum(Y2 - Y1, 0.0)
                                 * jnp.maximum(X2 - X1, 0.0))
                        union = area + area2 - inter
                        kill = (inter + inter) > union
                        scores_v[0, ds] = jnp.where(kill, _NEG, scores_v[0, ds])
                        return 0

                    lax.fori_loop(0, NCHUNK, sup, 0)

                cont = have & (~degen)
                k2 = jnp.where(cont, k + 1, k)
                done2 = jnp.where(cont, jnp.int32(0), jnp.int32(1))
                fill2 = jnp.where(have, jnp.where(degen, pick, -1),
                                  jnp.int32(-1))
                st_v[pl.ds(0, 16)] = jnp.where(
                    lanes == 0, k2, jnp.where(lanes == 1, done2, fill2))

            return c

        lax.fori_loop(0, MAXDET, nms_iter, 0)

        st = st_v[pl.ds(0, 16)]
        kfin = st[0]
        fill = st[2]

        def finalize(cc, _):
            ds = pl.ds(cc * 16, 16)
            gi = cc * 16 + lanes
            s = jnp.where(gi < kfin, sel_v[ds], fill)
            sel_v[ds] = s
            m = s >= 0
            maskf_v[ds] = jnp.where(m, 1.0, 0.0)
            idx_v[ds] = jnp.maximum(s, 0) + b * N
            return 0

        lax.fori_loop(0, SELPAD // 16, finalize, 0)

        def fire(r, _):
            gi = idx_v[pl.ds(r, 16)][0]
            pltpu.async_copy(cls_hbm.at[gi], rows_v.at[r], sem)
            return 0

        lax.fori_loop(0, NFETCH, fire, 0)
        pltpu.make_async_copy(cls_hbm.at[pl.ds(0, NFETCH)], rows_v,
                              sem).wait()

        def row_fn(r, _):
            mf = maskf_v[pl.ds(r, 16)][0]

            def cchunk(cc, carry):
                best, besti = carry
                ds = pl.ds(cc * 16, 16)
                v = rows_v[r, ds] * mf
                rows_v[r, ds] = v
                gi = cc * 16 + lanes
                m2 = v > best
                return jnp.where(m2, v, best), jnp.where(m2, gi, besti)

            best, besti = lax.fori_loop(
                0, C // 16, cchunk,
                (jnp.full((16,), -1.0, jnp.float32),
                 jnp.zeros((16,), jnp.int32)))
            mxv = jnp.max(best)
            am = jnp.min(jnp.where(best == mxv, besti, _BIG))
            plsc.store_scatter(clsidx_v, [jnp.full((16,), r, jnp.int32)],
                               jnp.full((16,), am, jnp.int32),
                               mask=lanes == 0)
            return 0

        lax.fori_loop(0, MAXDET, row_fn, 0)

        def bchunk(cc, _):
            rowidx = cc * 4 + (lanes >> 2)
            selc = plsc.load_gather(sel_v, [rowidx])
            mfc = plsc.load_gather(maskf_v, [rowidx])
            vals = plsc.load_gather(boxes_v,
                                    [jnp.maximum(selc, 0) * 4 + coord])
            plsc.store_scatter(boxout_v, [rowidx, coord], vals * mfc)
            return 0

        lax.fori_loop(0, MAXDET // 4, bchunk, 0)

        pltpu.sync_copy(rows_v.at[pl.ds(0, MAXDET)], cls_out.at[b])
        pltpu.sync_copy(boxout_v.at[pl.ds(0, MAXDET)], box_out.at[b])
        pltpu.sync_copy(clsidx_v, idx_out.at[b])


def _sc_nms(boxes_flat, scores, cls2d):
    mesh = plsc.VectorSubcoreMesh(core_axis_name="c", subcore_axis_name="s",
                                  num_cores=2, num_subcores=16)
    fn = pl.kernel(
        _sc_body,
        out_type=(
            jax.ShapeDtypeStruct((B, MAXDET, 4), jnp.float32),
            jax.ShapeDtypeStruct((B, 128), jnp.int32),
            jax.ShapeDtypeStruct((B, MAXDET, C), jnp.float32),
        ),
        mesh=mesh,
        scratch_types=[
            pltpu.VMEM((4 * N,), jnp.float32),
            pltpu.VMEM((1, N), jnp.float32),
            pltpu.VMEM((SELPAD,), jnp.int32),
            pltpu.VMEM((128,), jnp.float32),
            pltpu.VMEM((128,), jnp.int32),
            pltpu.VMEM((NFETCH, C), jnp.float32),
            pltpu.VMEM((SELPAD, 4), jnp.float32),
            pltpu.VMEM((128,), jnp.int32),
            pltpu.VMEM((16,), jnp.int32),
            pltpu.SemaphoreType.DMA,
        ],
        compiler_params=pltpu.CompilerParams(needs_layout_passes=False),
    )
    return fn(boxes_flat, scores, cls2d)


def kernel(box_prediction, class_prediction):
    cls2d = class_prediction.reshape(B * N, C)
    scores = _compute_scores(class_prediction)
    boxes_flat = box_prediction.reshape(B, N * 4)
    nms_box, cls_idx, nms_cls = _sc_nms(boxes_flat, scores, cls2d)
    cls_idx = cls_idx[:, :MAXDET].astype(jnp.int64)
    return nms_box, cls_idx, nms_cls

# --- scband reference (transcript-rebuilt; emitter-appended) ---
"""Pipeline reference for scband-pre-bayesian-nms-12008728559696 (READ-ONLY COPY).

The authoritative reference and input builder live on the scoring server;
editing this copy changes nothing except your own understanding.
"""

import jax, jax.numpy as jnp
import numpy as np

IOU_THRESHOLD = 0.5
CONFIDENCE_THRESHOLD = 0.5
MAX_DETECTIONS = 100


def setup_inputs(seed: int = 0) -> dict:
    key = jax.random.key(seed)
    k1, k2 = jax.random.split(key)
    box_prediction = jax.random.uniform(k1, (8, 20000, 4), dtype=jnp.float32)
    class_prediction = jax.random.uniform(k2, (8, 20000, 80), dtype=jnp.float32)
    return {"box_prediction": box_prediction, "class_prediction": class_prediction}


def _iou_one_vs_all(box, boxes):
    # tf.image.non_max_suppression interprets coords as [y1, x1, y2, x2]
    yy1 = jnp.maximum(box[0], boxes[:, 0])
    xx1 = jnp.maximum(box[1], boxes[:, 1])
    yy2 = jnp.minimum(box[2], boxes[:, 2])
    xx2 = jnp.minimum(box[3], boxes[:, 3])
    inter = jnp.maximum(yy2 - yy1, 0.0) * jnp.maximum(xx2 - xx1, 0.0)
    area1 = jnp.maximum(box[2] - box[0], 0.0) * jnp.maximum(box[3] - box[1], 0.0)
    area2 = jnp.maximum(boxes[:, 2] - boxes[:, 0], 0.0) * jnp.maximum(boxes[:, 3] - boxes[:, 1], 0.0)
    union = area1 + area2 - inter
    return jnp.where(union > 0.0, inter / union, 0.0)


def _nms_indices(boxes, scores):
    # greedy NMS, returns padded indices (-1 = invalid), like tf.image.non_max_suppression
    n = boxes.shape[0]
    order = jnp.argsort(-scores)
    b = boxes[order]
    s = scores[order]
    valid0 = s > CONFIDENCE_THRESHOLD

    def body(i, state):
        suppressed, selected = state
        avail = valid0 & (~suppressed)
        any_avail = jnp.any(avail)
        pick = jnp.argmax(avail)  # highest-score available (sorted order)
        ious = _iou_one_vs_all(b[pick], b)
        new_sup = suppressed | (ious > IOU_THRESHOLD)
        suppressed = jnp.where(any_avail, new_sup, suppressed)
        sel_idx = jnp.where(any_avail, order[pick].astype(jnp.int32), jnp.int32(-1))
        selected = selected.at[i].set(sel_idx)
        return (suppressed, selected)

    suppressed0 = jnp.zeros((n,), dtype=bool)
    selected0 = jnp.full((MAX_DETECTIONS,), -1, dtype=jnp.int32)
    _, selected = jax.lax.fori_loop(0, MAX_DETECTIONS, body, (suppressed0, selected0))
    return selected


def reference(box_prediction, class_prediction):
    # bounding_box_format == 'xywh' and target format == 'xywh' -> convert is identity
    # from_logits == False -> no softmax
    cls_predictions = class_prediction
    scores = jnp.max(cls_predictions, axis=2)  # [B, N]
    sel = jax.vmap(_nms_indices)(box_prediction, scores)  # [B, MAX_DETECTIONS]
    mask = sel >= 0
    safe = jnp.maximum(sel, 0)
    nms_box = jnp.take_along_axis(box_prediction, safe[..., None], axis=1)
    nms_box = nms_box * mask[..., None].astype(nms_box.dtype)
    nms_cls = jnp.take_along_axis(cls_predictions, safe[..., None], axis=1)
    nms_cls = nms_cls * mask[..., None].astype(nms_cls.dtype)
    cls_idx = jnp.argmax(nms_cls, axis=2).astype(jnp.int64)
    return (nms_box, cls_idx, nms_cls)

if __name__ == "__main__":
    import jax
    _d = setup_inputs()
    print(jax.jit(kernel)(*tuple(_d.values())))

</pallas_src>

<mosaic_0001>
#map = affine_map<(d0, d1) -> (0, 0)>
#map1 = affine_map<(d0, d1) -> (0, 0, 0)>
module attributes {stable_mosaic.version = 14 : i64} {
  func.func @_sc_body(%arg0: i32, %arg1: i32, %arg2: memref<8x80000xf32, #tpu.memory_space<hbm>>, %arg3: memref<8x1x20000xf32, #tpu.memory_space<hbm>>, %arg4: memref<160000x80xf32, #tpu.memory_space<hbm>>, %arg5: memref<8x100x4xf32, #tpu.memory_space<hbm>>, %arg6: memref<8x128xi32, #tpu.memory_space<hbm>>, %arg7: memref<8x100x80xf32, #tpu.memory_space<hbm>>, %arg8: memref<80000xf32, #tpu.memory_space<vmem>>, %arg9: memref<1x20000xf32, #tpu.memory_space<vmem>>, %arg10: memref<112xi32, #tpu.memory_space<vmem>>, %arg11: memref<128xf32, #tpu.memory_space<vmem>>, %arg12: memref<128xi32, #tpu.memory_space<vmem>>, %arg13: memref<104x80xf32, #tpu.memory_space<vmem>>, %arg14: memref<112x4xf32, #tpu.memory_space<vmem>>, %arg15: memref<128xi32, #tpu.memory_space<vmem>>, %arg16: memref<16xi32, #tpu.memory_space<vmem>>, %arg17: memref<!tpu.dma_semaphore, #tpu.memory_space<semaphore_mem>>) attributes {dimension_semantics = [#tpu.dimension_semantics<core_parallel>, #tpu.dimension_semantics<subcore_parallel>], iteration_bounds = array<i64: 2, 16>, scalar_prefetch = 0 : i64, scratch_operands = 10 : i64, tpu.core_type = #tpu.core_type<sc_vector_subcore>, window_params = [{transform_indices = #map}, {transform_indices = #map1}, {transform_indices = #map}, {transform_indices = #map1}, {transform_indices = #map}, {transform_indices = #map1}]} {
    %iota3A = tpu.iota {dimensions = array<i32: 0>} : vector<16xi32>
    %mul3A = arith.constant 2 : i32
    %mul3A_0 = arith.muli %arg1, %mul3A : i32
    %add3A = arith.addi %mul3A_0, %arg0 : i32
    %lt3A = arith.constant 8 : i32
    %lt3A_1 = arith.cmpi slt, %add3A, %lt3A : i32
    %convert_element_type3A = arith.extui %lt3A_1 : i1 to i32
    %cond3A = arith.constant 0 : i32
    %cond3A_2 = arith.cmpi ne, %convert_element_type3A, %cond3A : i32
    scf.if %cond3A_2 {
      %mul3A_3 = arith.constant 4 : i32
      %mul3A_4 = vector.broadcast %mul3A_3 : i32 to vector<16xi32>
      %mul3A_5 = arith.muli %iota3A, %mul3A_4 : vector<16xi32>
      %and3A = arith.constant 3 : i32
      %and3A_6 = vector.broadcast %and3A : i32 to vector<16xi32>
      %and3A_7 = arith.andi %iota3A, %and3A_6 : vector<16xi32>
      "tpu.region"() ({
        %run_scoped3A = tpu.sem_alloc : memref<!tpu.dma_semaphore, #tpu.memory_space<semaphore_mem>>
        %dma_start3A = arith.constant 0 : i32
        %dma_start3A_54 = tpu.memref_slice %arg2[%add3A, %dma_start3A] : memref<8x80000xf32, #tpu.memory_space<hbm>> -> memref<1x80000xf32, #tpu.memory_space<hbm>>
        %dma_start3A_55 = tpu.memref_squeeze %dma_start3A_54 : memref<1x80000xf32, #tpu.memory_space<hbm>> -> memref<80000xf32, #tpu.memory_space<hbm>>
        %dma_start3A_56 = arith.constant 0 : i32
        %dma_start3A_57 = tpu.memref_slice %arg2[%add3A, %dma_start3A_56] : memref<8x80000xf32, #tpu.memory_space<hbm>> -> memref<1x80000xf32, #tpu.memory_space<hbm>>
        %dma_start3A_58 = tpu.memref_squeeze %dma_start3A_57 : memref<1x80000xf32, #tpu.memory_space<hbm>> -> memref<80000xf32, #tpu.memory_space<hbm>>
        tpu.enqueue_dma source(%dma_start3A_58 : memref<80000xf32, #tpu.memory_space<hbm>>) target(%arg8 : memref<80000xf32, #tpu.memory_space<vmem>>) target_semaphore(%run_scoped3A : memref<!tpu.dma_semaphore, #tpu.memory_space<semaphore_mem>>)
        %dma_wait3A_59 = arith.constant 0 : i32
        %dma_wait3A_60 = tpu.memref_slice %arg2[%add3A, %dma_wait3A_59] : memref<8x80000xf32, #tpu.memory_space<hbm>> -> memref<1x80000xf32, #tpu.memory_space<hbm>>
        %dma_wait3A_61 = tpu.memref_squeeze %dma_wait3A_60 : memref<1x80000xf32, #tpu.memory_space<hbm>> -> memref<80000xf32, #tpu.memory_space<hbm>>
        %dma_wait3A_62 = arith.constant 0 : i32
        %dma_wait3A_63 = tpu.memref_slice %arg2[%add3A, %dma_wait3A_62] : memref<8x80000xf32, #tpu.memory_space<hbm>> -> memref<1x80000xf32, #tpu.memory_space<hbm>>
        %dma_wait3A_64 = tpu.memref_squeeze %dma_wait3A_63 : memref<1x80000xf32, #tpu.memory_space<hbm>> -> memref<80000xf32, #tpu.memory_space<hbm>>
        tpu.wait_dma2 semaphore(%run_scoped3A : memref<!tpu.dma_semaphore, #tpu.memory_space<semaphore_mem>>) src(%dma_wait3A_64 : memref<80000xf32, #tpu.memory_space<hbm>>) dst(%arg8 : memref<80000xf32, #tpu.memory_space<vmem>>)
        tpu.yield
      }) : () -> ()
      "tpu.region"() ({
        %run_scoped3A = tpu.sem_alloc : memref<!tpu.dma_semaphore, #tpu.memory_space<semaphore_mem>>
        %dma_start3A = arith.constant 0 : i32
        %dma_start3A_54 = arith.constant 0 : i32
        %dma_start3A_55 = tpu.memref_slice %arg3[%add3A, %dma_start3A, %dma_start3A_54] : memref<8x1x20000xf32, #tpu.memory_space<hbm>> -> memref<1x1x20000xf32, #tpu.memory_space<hbm>>
        %dma_start3A_56 = tpu.memref_squeeze %dma_start3A_55 : memref<1x1x20000xf32, #tpu.memory_space<hbm>> -> memref<1x20000xf32, #tpu.memory_space<hbm>>
        %dma_start3A_57 = arith.constant 0 : i32
        %dma_start3A_58 = arith.constant 0 : i32
        %dma_start3A_59 = tpu.memref_slice %arg3[%add3A, %dma_start3A_57, %dma_start3A_58] : memref<8x1x20000xf32, #tpu.memory_space<hbm>> -> memref<1x1x20000xf32, #tpu.memory_space<hbm>>
        %dma_start3A_60 = tpu.memref_squeeze %dma_start3A_59 : memref<1x1x20000xf32, #tpu.memory_space<hbm>> -> memref<1x20000xf32, #tpu.memory_space<hbm>>
        tpu.enqueue_dma source(%dma_start3A_60 : memref<1x20000xf32, #tpu.memory_space<hbm>>) target(%arg9 : memref<1x20000xf32, #tpu.memory_space<vmem>>) target_semaphore(%run_scoped3A : memref<!tpu.dma_semaphore, #tpu.memory_space<semaphore_mem>>)
        %dma_wait3A_61 = arith.constant 0 : i32
        %dma_wait3A_62 = arith.constant 0 : i32
        %dma_wait3A_63 = tpu.memref_slice %arg3[%add3A, %dma_wait3A_61, %dma_wait3A_62] : memref<8x1x20000xf32, #tpu.memory_space<hbm>> -> memref<1x1x20000xf32, #tpu.memory_space<hbm>>
        %dma_wait3A_64 = tpu.memref_squeeze %dma_wait3A_63 : memref<1x1x20000xf32, #tpu.memory_space<hbm>> -> memref<1x20000xf32, #tpu.memory_space<hbm>>
        %dma_wait3A_65 = arith.constant 0 : i32
        %dma_wait3A_66 = arith.constant 0 : i32
        %dma_wait3A_67 = tpu.memref_slice %arg3[%add3A, %dma_wait3A_65, %dma_wait3A_66] : memref<8x1x20000xf32, #tpu.memory_space<hbm>> -> memref<1x1x20000xf32, #tpu.memory_space<hbm>>
        %dma_wait3A_68 = tpu.memref_squeeze %dma_wait3A_67 : memref<1x1x20000xf32, #tpu.memory_space<hbm>> -> memref<1x20000xf32, #tpu.memory_space<hbm>>
        tpu.wait_dma2 semaphore(%run_scoped3A : memref<!tpu.dma_semaphore, #tpu.memory_space<semaphore_mem>>) src(%dma_wait3A_68 : memref<1x20000xf32, #tpu.memory_space<hbm>>) dst(%arg9 : memref<1x20000xf32, #tpu.memory_space<vmem>>)
        tpu.yield
      }) : () -> ()
      %eq3A = arith.constant 2 : i32
      %eq3A_8 = vector.broadcast %eq3A : i32 to vector<16xi32>
      %eq3A_9 = arith.cmpi eq, %iota3A, %eq3A_8 : vector<16xi32>
      %jit3A = arith.constant -1 : i32
      %jit3A_10 = arith.constant 0 : i32
      %broadcast_in_dim3A = vector.broadcast %jit3A : i32 to vector<16xi32>
      %broadcast_in_dim3A_11 = vector.broadcast %jit3A_10 : i32 to vector<16xi32>
      %select_n3A = arith.select %eq3A_9, %broadcast_in_dim3A, %broadcast_in_dim3A_11 : vector<16xi1>, vector<16xi32>
      %swap3A = arith.constant 0 : index
      %swap3A_12 = tpu.vector_load %arg16[%swap3A] {strides = array<i32>} : memref<16xi32, #tpu.memory_space<vmem>>, vector<16xi32>,
      tpu.vector_store %arg16[%swap3A], %select_n3A {strides = array<i32>} : memref<16xi32, #tpu.memory_space<vmem>>, vector<16xi32>,
      %scan3A = arith.constant 0 : i32
      %scan3A_13 = arith.constant 0 : i32
      %scan3A_14 = arith.constant 100 : i32
      %scan3A_15 = arith.addi %scan3A_13, %scan3A_14 : i32
      %scan3A_16 = arith.constant 1 : i32
      scf.for %scan3A_54 = %scan3A_13 to %scan3A_15 step %scan3A_16  : i32 {
        %get3A_55 = arith.constant 0 : index
        %get3A_56 = tpu.vector_load %arg16[%get3A_55] {strides = array<i32>} : memref<16xi32, #tpu.memory_space<vmem>>, vector<16xi32>,
        %slice3A_57 = vector.extract_strided_slice %get3A_56 {offsets = [0], sizes = [1], strides = [1]} : vector<16xi32> to vector<1xi32>
        %squeeze3A_58 = vector.extract %slice3A_57[0] : i32 from vector<1xi32>
        %slice3A_59 = vector.extract_strided_slice %get3A_56 {offsets = [1], sizes = [1], strides = [1]} : vector<16xi32> to vector<1xi32>
        %squeeze3A_60 = vector.extract %slice3A_59[0] : i32 from vector<1xi32>
        %eq3A_61 = arith.constant 0 : i32
        %eq3A_62 = arith.cmpi eq, %squeeze3A_60, %eq3A_61 : i32
        %convert_element_type3A_63 = arith.extui %eq3A_62 : i1 to i32
        %cond3A_64 = arith.constant 0 : i32
        %cond3A_65 = arith.cmpi ne, %convert_element_type3A_63, %cond3A_64 : i32
        scf.if %cond3A_65 {
          %broadcast_in_dim3A_66 = arith.constant -2.000000e+00 : f32
          %broadcast_in_dim3A_67 = vector.broadcast %broadcast_in_dim3A_66 : f32 to vector<16xf32>
          %broadcast_in_dim3A_68 = arith.constant 0 : i32
          %broadcast_in_dim3A_69 = vector.broadcast %broadcast_in_dim3A_68 : i32 to vector<16xi32>
          %scan3A_70 = arith.constant 0 : i32
          %scan3A_71 = arith.constant 1250 : i32
          %scan3A_72 = arith.addi %scan3A_70, %scan3A_71 : i32
          %scan3A_73 = arith.constant 1 : i32
          %scan3A_74:2 = scf.for %scan3A_175 = %scan3A_70 to %scan3A_72 step %scan3A_73 iter_args(%scan3A_176 = %broadcast_in_dim3A_67, %scan3A_177 = %broadcast_in_dim3A_69) -> (vector<16xf32>, vector<16xi32>)  : i32 {
            %mul3A_178 = arith.constant 16 : i32
            %mul3A_179 = arith.muli %scan3A_175, %mul3A_178 : i32
            %get3A_180 = arith.constant 0 : i32
            %get3A_181 = arith.index_cast %get3A_180 : i32 to index
            %get3A_182 = arith.index_cast %mul3A_179 : i32 to index
            %get3A_183 = tpu.vector_load %arg9[%get3A_181, %get3A_182] {strides = array<i32>} : memref<1x20000xf32, #tpu.memory_space<vmem>>, vector<16xf32>,
            %mul3A_184 = arith.constant 16 : i32
            %mul3A_185 = arith.muli %scan3A_175, %mul3A_184 : i32
            %add3A_186 = vector.broadcast %mul3A_185 : i32 to vector<16xi32>
            %add3A_187 = arith.addi %add3A_186, %iota3A : vector<16xi32>
            %gt3A_188 = arith.cmpf ogt, %get3A_183, %scan3A_176 : vector<16xf32>
            %select_n3A_189 = arith.select %gt3A_188, %get3A_183, %scan3A_176 : vector<16xi1>, vector<16xf32>
            %select_n3A_190 = arith.select %gt3A_188, %add3A_187, %scan3A_177 : vector<16xi1>, vector<16xi32>
            scf.yield %select_n3A_189, %select_n3A_190 : vector<16xf32>, vector<16xi32>
          }
          %scan3A_75 = arith.constant 1250 : i32
          %reduce_max3A = arith.constant true
          %reduce_max3A_76 = vector.broadcast %reduce_max3A : i1 to vector<16xi1>
          %reduce_max3A_77 = tpu.scan <max>, %scan3A_74#0 masked %reduce_max3A_76 : vector<16xf32>, vector<16xi1> -> vector<16xf32>
          %reduce_max3A_78 = vector.extract %reduce_max3A_77[15] : f32 from vector<16xf32>
          %eq3A_79 = vector.broadcast %reduce_max3A_78 : f32 to vector<16xf32>
          %eq3A_80 = arith.cmpf oeq, %scan3A_74#0, %eq3A_79 : vector<16xf32>
          %jit3A_81 = arith.constant 1073741824 : i32
          %broadcast_in_dim3A_82 = vector.broadcast %jit3A_81 : i32 to vector<16xi32>
          %select_n3A_83 = arith.select %eq3A_80, %scan3A_74#1, %broadcast_in_dim3A_82 : vector<16xi1>, vector<16xi32>
          %reduce_min3A = arith.constant true
          %reduce_min3A_84 = vector.broadcast %reduce_min3A : i1 to vector<16xi1>
          %reduce_min3A_85 = arith.constant -2147483648 : i32
          %reduce_min3A_86 = vector.broadcast %reduce_min3A_85 : i32 to vector<16xi32>
          %reduce_min3A_87 = arith.xori %select_n3A_83, %reduce_min3A_86 : vector<16xi32>
          %reduce_min3A_88 = tpu.scan <min>, %reduce_min3A_87 masked %reduce_min3A_84 : vector<16xi32>, vector<16xi1> -> vector<16xi32>
          %reduce_min3A_89 = arith.xori %reduce_min3A_88, %reduce_min3A_86 : vector<16xi32>
          %reduce_min3A_90 = vector.extract %reduce_min3A_89[15] : i32 from vector<16xi32>
          %gt3A = arith.constant 5.000000e-01 : f32
          %gt3A_91 = arith.cmpf ogt, %reduce_max3A_78, %gt3A : f32
          %broadcast_in_dim3A_92 = vector.broadcast %reduce_min3A_90 : i32 to vector<16xi32>
          %mul3A_93 = arith.constant 4 : i32
          %mul3A_94 = arith.muli %reduce_min3A_90, %mul3A_93 : i32
          %add3A_95 = vector.broadcast %mul3A_94 : i32 to vector<16xi32>
          %add3A_96 = arith.addi %add3A_95, %and3A_7 : vector<16xi32>
          %gather3A = tpu.vector_load_idx %arg8[%add3A_96] : memref<80000xf32, #tpu.memory_space<vmem>>[vector<16xi32>], vector<16xf32>,
          %eq3A_97 = arith.constant 0 : i32
          %eq3A_98 = vector.broadcast %eq3A_97 : i32 to vector<16xi32>
          %eq3A_99 = arith.cmpi eq, %iota3A, %eq3A_98 : vector<16xi32>
          %jit3A_100 = arith.constant -9.000000e+00 : f32
          %broadcast_in_dim3A_101 = vector.broadcast %jit3A_100 : f32 to vector<16xf32>
          %select_n3A_102 = arith.select %eq3A_99, %gather3A, %broadcast_in_dim3A_101 : vector<16xi1>, vector<16xf32>
          %reduce_max3A_103 = arith.constant true
          %reduce_max3A_104 = vector.broadcast %reduce_max3A_103 : i1 to vector<16xi1>
          %reduce_max3A_105 = tpu.scan <max>, %select_n3A_102 masked %reduce_max3A_104 : vector<16xf32>, vector<16xi1> -> vector<16xf32>
          %reduce_max3A_106 = vector.extract %reduce_max3A_105[15] : f32 from vector<16xf32>
          %eq3A_107 = arith.constant 1 : i32
          %eq3A_108 = vector.broadcast %eq3A_107 : i32 to vector<16xi32>
          %eq3A_109 = arith.cmpi eq, %iota3A, %eq3A_108 : vector<16xi32>
          %jit3A_110 = arith.constant -9.000000e+00 : f32
          %broadcast_in_dim3A_111 = vector.broadcast %jit3A_110 : f32 to vector<16xf32>
          %select_n3A_112 = arith.select %eq3A_109, %gather3A, %broadcast_in_dim3A_111 : vector<16xi1>, vector<16xf32>
          %reduce_max3A_113 = arith.constant true
          %reduce_max3A_114 = vector.broadcast %reduce_max3A_113 : i1 to vector<16xi1>
          %reduce_max3A_115 = tpu.scan <max>, %select_n3A_112 masked %reduce_max3A_114 : vector<16xf32>, vector<16xi1> -> vector<16xf32>
          %reduce_max3A_116 = vector.extract %reduce_max3A_115[15] : f32 from vector<16xf32>
          %eq3A_117 = arith.constant 2 : i32
          %eq3A_118 = vector.broadcast %eq3A_117 : i32 to vector<16xi32>
          %eq3A_119 = arith.cmpi eq, %iota3A, %eq3A_118 : vector<16xi32>
          %jit3A_120 = arith.constant -9.000000e+00 : f32
          %broadcast_in_dim3A_121 = vector.broadcast %jit3A_120 : f32 to vector<16xf32>
          %select_n3A_122 = arith.select %eq3A_119, %gather3A, %broadcast_in_dim3A_121 : vector<16xi1>, vector<16xf32>
          %reduce_max3A_123 = arith.constant true
          %reduce_max3A_124 = vector.broadcast %reduce_max3A_123 : i1 to vector<16xi1>
          %reduce_max3A_125 = tpu.scan <max>, %select_n3A_122 masked %reduce_max3A_124 : vector<16xf32>, vector<16xi1> -> vector<16xf32>
          %reduce_max3A_126 = vector.extract %reduce_max3A_125[15] : f32 from vector<16xf32>
          %eq3A_127 = arith.constant 3 : i32
          %eq3A_128 = vector.broadcast %eq3A_127 : i32 to vector<16xi32>
          %eq3A_129 = arith.cmpi eq, %iota3A, %eq3A_128 : vector<16xi32>
          %jit3A_130 = arith.constant -9.000000e+00 : f32
          %broadcast_in_dim3A_131 = vector.broadcast %jit3A_130 : f32 to vector<16xf32>
          %select_n3A_132 = arith.select %eq3A_129, %gather3A, %broadcast_in_dim3A_131 : vector<16xi1>, vector<16xf32>
          %reduce_max3A_133 = arith.constant true
          %reduce_max3A_134 = vector.broadcast %reduce_max3A_133 : i1 to vector<16xi1>
          %reduce_max3A_135 = tpu.scan <max>, %select_n3A_132 masked %reduce_max3A_134 : vector<16xf32>, vector<16xi1> -> vector<16xf32>
          %reduce_max3A_136 = vector.extract %reduce_max3A_135[15] : f32 from vector<16xf32>
          %sub3A = arith.subf %reduce_max3A_126, %reduce_max3A_106 : f32
          %max3A = arith.constant 0.000000e+00 : f32
          %max3A_137 = arith.maximumf %sub3A, %max3A : f32
          %sub3A_138 = arith.subf %reduce_max3A_136, %reduce_max3A_116 : f32
          %max3A_139 = arith.constant 0.000000e+00 : f32
          %max3A_140 = arith.maximumf %sub3A_138, %max3A_139 : f32
          %mul3A_141 = arith.mulf %max3A_137, %max3A_140 : f32
          %eq3A_142 = arith.constant 0.000000e+00 : f32
          %eq3A_143 = arith.cmpf oeq, %mul3A_141, %eq3A_142 : f32
          %not3A = arith.constant true
          %not3A_144 = arith.xori %eq3A_143, %not3A : i1
          %and3A_145 = arith.andi %gt3A_91, %not3A_144 : i1
          %convert_element_type3A_146 = arith.extui %and3A_145 : i1 to i32
          %cond3A_147 = arith.constant 0 : i32
          %cond3A_148 = arith.cmpi ne, %convert_element_type3A_146, %cond3A_147 : i32
          scf.if %cond3A_148 {
            %broadcast_in_dim3A_175 = vector.broadcast %squeeze3A_58 : i32 to vector<16xi32>
            %eq3A_176 = arith.constant 0 : i32
            %eq3A_177 = vector.broadcast %eq3A_176 : i32 to vector<16xi32>
            %eq3A_178 = arith.cmpi eq, %iota3A, %eq3A_177 : vector<16xi32>
            tpu.vector_store_idx %arg10[%broadcast_in_dim3A_175], %broadcast_in_dim3A_92 masked %eq3A_178 : memref<112xi32, #tpu.memory_space<vmem>>[vector<16xi32>], vector<16xi32>, vector<16xi1>
            %scan3A_179 = arith.constant 0 : i32
            %scan3A_180 = arith.constant 0 : i32
            %scan3A_181 = arith.constant 1250 : i32
            %scan3A_182 = arith.addi %scan3A_180, %scan3A_181 : i32
            %scan3A_183 = arith.constant 1 : i32
            %scan3A_184 = scf.for %scan3A_186 = %scan3A_180 to %scan3A_182 step %scan3A_183 iter_args(%scan3A_187 = %scan3A_179) -> (i32)  : i32 {
              %mul3A_188 = arith.constant 16 : i32
              %mul3A_189 = arith.muli %scan3A_186, %mul3A_188 : i32
              %mul3A_190 = arith.constant 64 : i32
              %mul3A_191 = arith.muli %scan3A_186, %mul3A_190 : i32
              %add3A_192 = vector.broadcast %mul3A_191 : i32 to vector<16xi32>
              %add3A_193 = arith.addi %add3A_192, %mul3A_5 : vector<16xi32>
              %gather3A_194 = tpu.vector_load_idx %arg8[%add3A_193] : memref<80000xf32, #tpu.memory_space<vmem>>[vector<16xi32>], vector<16xf32>,
              %add3A_195 = arith.constant 1 : i32
              %add3A_196 = vector.broadcast %add3A_195 : i32 to vector<16xi32>
              %add3A_197 = arith.addi %add3A_193, %add3A_196 : vector<16xi32>
              %gather3A_198 = tpu.vector_load_idx %arg8[%add3A_197] : memref<80000xf32, #tpu.memory_space<vmem>>[vector<16xi32>], vector<16xf32>,
              %add3A_199 = arith.constant 2 : i32
              %add3A_200 = vector.broadcast %add3A_199 : i32 to vector<16xi32>
              %add3A_201 = arith.addi %add3A_193, %add3A_200 : vector<16xi32>
              %gather3A_202 = tpu.vector_load_idx %arg8[%add3A_201] : memref<80000xf32, #tpu.memory_space<vmem>>[vector<16xi32>], vector<16xf32>,
              %add3A_203 = arith.constant 3 : i32
              %add3A_204 = vector.broadcast %add3A_203 : i32 to vector<16xi32>
              %add3A_205 = arith.addi %add3A_193, %add3A_204 : vector<16xi32>
              %gather3A_206 = tpu.vector_load_idx %arg8[%add3A_205] : memref<80000xf32, #tpu.memory_space<vmem>>[vector<16xi32>], vector<16xf32>,
              %max3A_207 = vector.broadcast %reduce_max3A_106 : f32 to vector<16xf32>
              %max3A_208 = arith.maximumf %max3A_207, %gather3A_194 : vector<16xf32>
              %max3A_209 = vector.broadcast %reduce_max3A_116 : f32 to vector<16xf32>
              %max3A_210 = arith.maximumf %max3A_209, %gather3A_198 : vector<16xf32>
              %min3A = vector.broadcast %reduce_max3A_126 : f32 to vector<16xf32>
              %min3A_211 = arith.minimumf %min3A, %gather3A_202 : vector<16xf32>
              %min3A_212 = vector.broadcast %reduce_max3A_136 : f32 to vector<16xf32>
              %min3A_213 = arith.minimumf %min3A_212, %gather3A_206 : vector<16xf32>
              %sub3A_214 = arith.subf %min3A_211, %max3A_208 : vector<16xf32>
              %max3A_215 = arith.constant 0.000000e+00 : f32
              %max3A_216 = vector.broadcast %max3A_215 : f32 to vector<16xf32>
              %max3A_217 = arith.maximumf %sub3A_214, %max3A_216 : vector<16xf32>
              %sub3A_218 = arith.subf %min3A_213, %max3A_210 : vector<16xf32>
              %max3A_219 = arith.constant 0.000000e+00 : f32
              %max3A_220 = vector.broadcast %max3A_219 : f32 to vector<16xf32>
              %max3A_221 = arith.maximumf %sub3A_218, %max3A_220 : vector<16xf32>
              %mul3A_222 = arith.mulf %max3A_217, %max3A_221 : vector<16xf32>
              %sub3A_223 = arith.subf %gather3A_202, %gather3A_194 : vector<16xf32>
              %max3A_224 = arith.constant 0.000000e+00 : f32
              %max3A_225 = vector.broadcast %max3A_224 : f32 to vector<16xf32>
              %max3A_226 = arith.maximumf %sub3A_223, %max3A_225 : vector<16xf32>
              %sub3A_227 = arith.subf %gather3A_206, %gather3A_198 : vector<16xf32>
              %max3A_228 = arith.constant 0.000000e+00 : f32
              %max3A_229 = vector.broadcast %max3A_228 : f32 to vector<16xf32>
              %max3A_230 = arith.maximumf %sub3A_227, %max3A_229 : vector<16xf32>
              %mul3A_231 = arith.mulf %max3A_226, %max3A_230 : vector<16xf32>
              %add3A_232 = vector.broadcast %mul3A_141 : f32 to vector<16xf32>
              %add3A_233 = arith.addf %add3A_232, %mul3A_231 : vector<16xf32>
              %sub3A_234 = arith.subf %add3A_233, %mul3A_222 : vector<16xf32>
              %add3A_235 = arith.addf %mul3A_222, %mul3A_222 : vector<16xf32>
              %gt3A_236 = arith.cmpf ogt, %add3A_235, %sub3A_234 : vector<16xf32>
              %get3A_237 = arith.constant 0 : i32
              %get3A_238 = arith.index_cast %get3A_237 : i32 to index
              %get3A_239 = arith.index_cast %mul3A_189 : i32 to index
              %get3A_240 = tpu.vector_load %arg9[%get3A_238, %get3A_239] {strides = array<i32>} : memref<1x20000xf32, #tpu.memory_space<vmem>>, vector<16xf32>,
              %jit3A_241 = arith.constant -1.000000e+00 : f32
              %broadcast_in_dim3A_242 = vector.broadcast %jit3A_241 : f32 to vector<16xf32>
              %select_n3A_243 = arith.select %gt3A_236, %broadcast_in_dim3A_242, %get3A_240 : vector<16xi1>, vector<16xf32>
              %swap3A_244 = arith.constant 0 : i32
              %swap3A_245 = arith.index_cast %swap3A_244 : i32 to index
              %swap3A_246 = arith.index_cast %mul3A_189 : i32 to index
              %swap3A_247 = tpu.vector_load %arg9[%swap3A_245, %swap3A_246] {strides = array<i32>} : memref<1x20000xf32, #tpu.memory_space<vmem>>, vector<16xf32>,
              tpu.vector_store %arg9[%swap3A_245, %swap3A_246], %select_n3A_243 {strides = array<i32>} : memref<1x20000xf32, #tpu.memory_space<vmem>>, vector<16xf32>,
              %scan3A_248 = arith.constant 0 : i32
              scf.yield %scan3A_248 : i32
            }
            %scan3A_185 = arith.constant 1250 : i32
          } else {
          }
          %not3A_149 = arith.constant true
          %not3A_150 = arith.xori %eq3A_143, %not3A_149 : i1
          %and3A_151 = arith.andi %gt3A_91, %not3A_150 : i1
          %add3A_152 = arith.constant 1 : i32
          %add3A_153 = arith.addi %squeeze3A_58, %add3A_152 : i32
          %select_n3A_154 = arith.select %and3A_151, %add3A_153, %squeeze3A_58 : i32
          %jit3A_155 = arith.constant 0 : i32
          %jit3A_156 = arith.constant 1 : i32
          %select_n3A_157 = arith.select %and3A_151, %jit3A_155, %jit3A_156 : i32
          %jit3A_158 = arith.constant -1 : i32
          %select_n3A_159 = arith.select %eq3A_143, %reduce_min3A_90, %jit3A_158 : i32
          %jit3A_160 = arith.constant -1 : i32
          %select_n3A_161 = arith.select %gt3A_91, %select_n3A_159, %jit3A_160 : i32
          %eq3A_162 = arith.constant 0 : i32
          %eq3A_163 = vector.broadcast %eq3A_162 : i32 to vector<16xi32>
          %eq3A_164 = arith.cmpi eq, %iota3A, %eq3A_163 : vector<16xi32>
          %eq3A_165 = arith.constant 1 : i32
          %eq3A_166 = vector.broadcast %eq3A_165 : i32 to vector<16xi32>
          %eq3A_167 = arith.cmpi eq, %iota3A, %eq3A_166 : vector<16xi32>
          %broadcast_in_dim3A_168 = vector.broadcast %select_n3A_157 : i32 to vector<16xi32>
          %broadcast_in_dim3A_169 = vector.broadcast %select_n3A_161 : i32 to vector<16xi32>
          %select_n3A_170 = arith.select %eq3A_167, %broadcast_in_dim3A_168, %broadcast_in_dim3A_169 : vector<16xi1>, vector<16xi32>
          %broadcast_in_dim3A_171 = vector.broadcast %select_n3A_154 : i32 to vector<16xi32>
          %select_n3A_172 = arith.select %eq3A_164, %broadcast_in_dim3A_171, %select_n3A_170 : vector<16xi1>, vector<16xi32>
          %swap3A_173 = arith.constant 0 : index
          %swap3A_174 = tpu.vector_load %arg16[%swap3A_173] {strides = array<i32>} : memref<16xi32, #tpu.memory_space<vmem>>, vector<16xi32>,
          tpu.vector_store %arg16[%swap3A_173], %select_n3A_172 {strides = array<i32>} : memref<16xi32, #tpu.memory_space<vmem>>, vector<16xi32>,
        } else {
        }
      }
      %scan3A_17 = arith.constant 100 : i32
      %get3A = arith.constant 0 : index
      %get3A_18 = tpu.vector_load %arg16[%get3A] {strides = array<i32>} : memref<16xi32, #tpu.memory_space<vmem>>, vector<16xi32>,
      %slice3A = vector.extract_strided_slice %get3A_18 {offsets = [0], sizes = [1], strides = [1]} : vector<16xi32> to vector<1xi32>
      %squeeze3A = vector.extract %slice3A[0] : i32 from vector<1xi32>
      %slice3A_19 = vector.extract_strided_slice %get3A_18 {offsets = [2], sizes = [1], strides = [1]} : vector<16xi32> to vector<1xi32>
      %squeeze3A_20 = vector.extract %slice3A_19[0] : i32 from vector<1xi32>
      %scan3A_21 = arith.constant 0 : i32
      %scan3A_22 = arith.constant 0 : i32
      %scan3A_23 = arith.constant 7 : i32
      %scan3A_24 = arith.addi %scan3A_22, %scan3A_23 : i32
      %scan3A_25 = arith.constant 1 : i32
      %scan3A_26 = scf.for %scan3A_54 = %scan3A_22 to %scan3A_24 step %scan3A_25 iter_args(%scan3A_55 = %scan3A_21) -> (i32)  : i32 {
        %mul3A_56 = arith.constant 16 : i32
        %mul3A_57 = arith.muli %scan3A_54, %mul3A_56 : i32
        %mul3A_58 = arith.constant 16 : i32
        %mul3A_59 = arith.muli %scan3A_54, %mul3A_58 : i32
        %add3A_60 = vector.broadcast %mul3A_59 : i32 to vector<16xi32>
        %add3A_61 = arith.addi %add3A_60, %iota3A : vector<16xi32>
        %lt3A_62 = vector.broadcast %squeeze3A : i32 to vector<16xi32>
        %lt3A_63 = arith.cmpi slt, %add3A_61, %lt3A_62 : vector<16xi32>
        %get3A_64 = arith.index_cast %mul3A_57 : i32 to index
        %get3A_65 = tpu.vector_load %arg10[%get3A_64] {strides = array<i32>} : memref<112xi32, #tpu.memory_space<vmem>>, vector<16xi32>,
        %broadcast_in_dim3A_66 = vector.broadcast %squeeze3A_20 : i32 to vector<16xi32>
        %select_n3A_67 = arith.select %lt3A_63, %get3A_65, %broadcast_in_dim3A_66 : vector<16xi1>, vector<16xi32>
        %swap3A_68 = arith.index_cast %mul3A_57 : i32 to index
        %swap3A_69 = tpu.vector_load %arg10[%swap3A_68] {strides = array<i32>} : memref<112xi32, #tpu.memory_space<vmem>>, vector<16xi32>,
        tpu.vector_store %arg10[%swap3A_68], %select_n3A_67 {strides = array<i32>} : memref<112xi32, #tpu.memory_space<vmem>>, vector<16xi32>,
        %ge3A = arith.constant 0 : i32
        %ge3A_70 = vector.broadcast %ge3A : i32 to vector<16xi32>
        %ge3A_71 = arith.cmpi sge, %select_n3A_67, %ge3A_70 : vector<16xi32>
        %jit3A_72 = arith.constant 1.000000e+00 : f32
        %jit3A_73 = arith.constant 0.000000e+00 : f32
        %broadcast_in_dim3A_74 = vector.broadcast %jit3A_72 : f32 to vector<16xf32>
        %broadcast_in_dim3A_75 = vector.broadcast %jit3A_73 : f32 to vector<16xf32>
        %select_n3A_76 = arith.select %ge3A_71, %broadcast_in_dim3A_74, %broadcast_in_dim3A_75 : vector<16xi1>, vector<16xf32>
        %swap3A_77 = arith.index_cast %mul3A_57 : i32 to index
        %swap3A_78 = tpu.vector_load %arg11[%swap3A_77] {strides = array<i32>} : memref<128xf32, #tpu.memory_space<vmem>>, vector<16xf32>,
        tpu.vector_store %arg11[%swap3A_77], %select_n3A_76 {strides = array<i32>} : memref<128xf32, #tpu.memory_space<vmem>>, vector<16xf32>,
        %max3A = arith.constant 0 : i32
        %max3A_79 = vector.broadcast %max3A : i32 to vector<16xi32>
        %max3A_80 = arith.maxsi %select_n3A_67, %max3A_79 : vector<16xi32>
        %mul3A_81 = arith.constant 20000 : i32
        %mul3A_82 = arith.muli %add3A, %mul3A_81 : i32
        %add3A_83 = vector.broadcast %mul3A_82 : i32 to vector<16xi32>
        %add3A_84 = arith.addi %max3A_80, %add3A_83 : vector<16xi32>
        %swap3A_85 = arith.index_cast %mul3A_57 : i32 to index
        %swap3A_86 = tpu.vector_load %arg12[%swap3A_85] {strides = array<i32>} : memref<128xi32, #tpu.memory_space<vmem>>, vector<16xi32>,
        tpu.vector_store %arg12[%swap3A_85], %add3A_84 {strides = array<i32>} : memref<128xi32, #tpu.memory_space<vmem>>, vector<16xi32>,
        %scan3A_87 = arith.constant 0 : i32
        scf.yield %scan3A_87 : i32
      }
      %scan3A_27 = arith.constant 7 : i32
      %scan3A_28 = arith.constant 0 : i32
      %scan3A_29 = arith.constant 0 : i32
      %scan3A_30 = arith.constant 104 : i32
      %scan3A_31 = arith.addi %scan3A_29, %scan3A_30 : i32
      %scan3A_32 = arith.constant 1 : i32
      %scan3A_33 = scf.for %scan3A_54 = %scan3A_29 to %scan3A_31 step %scan3A_32 iter_args(%scan3A_55 = %scan3A_28) -> (i32)  : i32 {
        %get3A_56 = arith.index_cast %scan3A_54 : i32 to index
        %get3A_57 = tpu.vector_load %arg12[%get3A_56] {strides = array<i32>} : memref<128xi32, #tpu.memory_space<vmem>>, vector<16xi32>,
        %slice3A_58 = vector.extract_strided_slice %get3A_57 {offsets = [0], sizes = [1], strides = [1]} : vector<16xi32> to vector<1xi32>
        %squeeze3A_59 = vector.extract %slice3A_58[0] : i32 from vector<1xi32>
        %dma_start3A = arith.constant 0 : i32
        %dma_start3A_60 = tpu.memref_slice %arg13[%scan3A_54, %dma_start3A] : memref<104x80xf32, #tpu.memory_space<vmem>> -> memref<1x80xf32, #tpu.memory_space<vmem>>
        %dma_start3A_61 = tpu.memref_squeeze %dma_start3A_60 : memref<1x80xf32, #tpu.memory_space<vmem>> -> memref<80xf32, #tpu.memory_space<vmem>>
        %dma_start3A_62 = arith.constant 0 : i32
        %dma_start3A_63 = tpu.memref_slice %arg4[%squeeze3A_59, %dma_start3A_62] : memref<160000x80xf32, #tpu.memory_space<hbm>> -> memref<1x80xf32, #tpu.memory_space<hbm>>
        %dma_start3A_64 = tpu.memref_squeeze %dma_start3A_63 : memref<1x80xf32, #tpu.memory_space<hbm>> -> memref<80xf32, #tpu.memory_space<hbm>>
        %dma_start3A_65 = arith.constant 0 : i32
        %dma_start3A_66 = tpu.memref_slice %arg13[%scan3A_54, %dma_start3A_65] : memref<104x80xf32, #tpu.memory_space<vmem>> -> memref<1x80xf32, #tpu.memory_space<vmem>>
        %dma_start3A_67 = tpu.memref_squeeze %dma_start3A_66 : memref<1x80xf32, #tpu.memory_space<vmem>> -> memref<80xf32, #tpu.memory_space<vmem>>
        %dma_start3A_68 = arith.constant 0 : i32
        %dma_start3A_69 = tpu.memref_slice %arg4[%squeeze3A_59, %dma_start3A_68] : memref<160000x80xf32, #tpu.memory_space<hbm>> -> memref<1x80xf32, #tpu.memory_space<hbm>>
        %dma_start3A_70 = tpu.memref_squeeze %dma_start3A_69 : memref<1x80xf32, #tpu.memory_space<hbm>> -> memref<80xf32, #tpu.memory_space<hbm>>
        tpu.enqueue_dma source(%dma_start3A_70 : memref<80xf32, #tpu.memory_space<hbm>>) target(%dma_start3A_67 : memref<80xf32, #tpu.memory_space<vmem>>) target_semaphore(%arg17 : memref<!tpu.dma_semaphore, #tpu.memory_space<semaphore_mem>>)
        %scan3A_71 = arith.constant 0 : i32
        scf.yield %scan3A_71 : i32
      }
      %scan3A_34 = arith.constant 104 : i32
      %dma_wait3A = arith.constant 0 : i32
      %dma_wait3A_35 = arith.constant 0 : i32
      %dma_wait3A_36 = tpu.memref_slice %arg4[%dma_wait3A, %dma_wait3A_35] : memref<160000x80xf32, #tpu.memory_space<hbm>> -> memref<104x80xf32, #tpu.memory_space<hbm>>
      %dma_wait3A_37 = arith.constant 0 : i32
      %dma_wait3A_38 = arith.constant 0 : i32
      %dma_wait3A_39 = tpu.memref_slice %arg4[%dma_wait3A_37, %dma_wait3A_38] : memref<160000x80xf32, #tpu.memory_space<hbm>> -> memref<104x80xf32, #tpu.memory_space<hbm>>
      tpu.wait_dma2 semaphore(%arg17 : memref<!tpu.dma_semaphore, #tpu.memory_space<semaphore_mem>>) src(%dma_wait3A_39 : memref<104x80xf32, #tpu.memory_space<hbm>>) dst(%arg13 : memref<104x80xf32, #tpu.memory_space<vmem>>)
      %scan3A_40 = arith.constant 0 : i32
      %scan3A_41 = arith.constant 0 : i32
      %scan3A_42 = arith.constant 100 : i32
      %scan3A_43 = arith.addi %scan3A_41, %scan3A_42 : i32
      %scan3A_44 = arith.constant 1 : i32
      %scan3A_45 = scf.for %scan3A_54 = %scan3A_41 to %scan3A_43 step %scan3A_44 iter_args(%scan3A_55 = %scan3A_40) -> (i32)  : i32 {
        %get3A_56 = arith.index_cast %scan3A_54 : i32 to index
        %get3A_57 = tpu.vector_load %arg11[%get3A_56] {strides = array<i32>} : memref<128xf32, #tpu.memory_space<vmem>>, vector<16xf32>,
        %slice3A_58 = vector.extract_strided_slice %get3A_57 {offsets = [0], sizes = [1], strides = [1]} : vector<16xf32> to vector<1xf32>
        %squeeze3A_59 = vector.extract %slice3A_58[0] : f32 from vector<1xf32>
        %broadcast_in_dim3A_60 = arith.constant -1.000000e+00 : f32
        %broadcast_in_dim3A_61 = vector.broadcast %broadcast_in_dim3A_60 : f32 to vector<16xf32>
        %broadcast_in_dim3A_62 = arith.constant 0 : i32
        %broadcast_in_dim3A_63 = vector.broadcast %broadcast_in_dim3A_62 : i32 to vector<16xi32>
        %scan3A_64 = arith.constant 0 : i32
        %scan3A_65 = arith.constant 5 : i32
        %scan3A_66 = arith.addi %scan3A_64, %scan3A_65 : i32
        %scan3A_67 = arith.constant 1 : i32
        %scan3A_68:2 = scf.for %scan3A_91 = %scan3A_64 to %scan3A_66 step %scan3A_67 iter_args(%scan3A_92 = %broadcast_in_dim3A_61, %scan3A_93 = %broadcast_in_dim3A_63) -> (vector<16xf32>, vector<16xi32>)  : i32 {
          %mul3A_94 = arith.constant 16 : i32
          %mul3A_95 = arith.muli %scan3A_91, %mul3A_94 : i32
          %get3A_96 = arith.index_cast %scan3A_54 : i32 to index
          %get3A_97 = arith.index_cast %mul3A_95 : i32 to index
          %get3A_98 = tpu.vector_load %arg13[%get3A_96, %get3A_97] {strides = array<i32>} : memref<104x80xf32, #tpu.memory_space<vmem>>, vector<16xf32>,
          %mul3A_99 = vector.broadcast %squeeze3A_59 : f32 to vector<16xf32>
          %mul3A_100 = arith.mulf %get3A_98, %mul3A_99 : vector<16xf32>
          %swap3A_101 = arith.index_cast %scan3A_54 : i32 to index
          %swap3A_102 = arith.index_cast %mul3A_95 : i32 to index
          %swap3A_103 = tpu.vector_load %arg13[%swap3A_101, %swap3A_102] {strides = array<i32>} : memref<104x80xf32, #tpu.memory_space<vmem>>, vector<16xf32>,
          tpu.vector_store %arg13[%swap3A_101, %swap3A_102], %mul3A_100 {strides = array<i32>} : memref<104x80xf32, #tpu.memory_space<vmem>>, vector<16xf32>,
          %mul3A_104 = arith.constant 16 : i32
          %mul3A_105 = arith.muli %scan3A_91, %mul3A_104 : i32
          %add3A_106 = vector.broadcast %mul3A_105 : i32 to vector<16xi32>
          %add3A_107 = arith.addi %add3A_106, %iota3A : vector<16xi32>
          %gt3A = arith.cmpf ogt, %mul3A_100, %scan3A_92 : vector<16xf32>
          %select_n3A_108 = arith.select %gt3A, %mul3A_100, %scan3A_92 : vector<16xi1>, vector<16xf32>
          %select_n3A_109 = arith.select %gt3A, %add3A_107, %scan3A_93 : vector<16xi1>, vector<16xi32>
          scf.yield %select_n3A_108, %select_n3A_109 : vector<16xf32>, vector<16xi32>
        }
        %scan3A_69 = arith.constant 5 : i32
        %reduce_max3A = arith.constant true
        %reduce_max3A_70 = vector.broadcast %reduce_max3A : i1 to vector<16xi1>
        %reduce_max3A_71 = tpu.scan <max>, %scan3A_68#0 masked %reduce_max3A_70 : vector<16xf32>, vector<16xi1> -> vector<16xf32>
        %reduce_max3A_72 = vector.extract %reduce_max3A_71[15] : f32 from vector<16xf32>
        %eq3A_73 = vector.broadcast %reduce_max3A_72 : f32 to vector<16xf32>
        %eq3A_74 = arith.cmpf oeq, %scan3A_68#0, %eq3A_73 : vector<16xf32>
        %jit3A_75 = arith.constant 1073741824 : i32
        %broadcast_in_dim3A_76 = vector.broadcast %jit3A_75 : i32 to vector<16xi32>
        %select_n3A_77 = arith.select %eq3A_74, %scan3A_68#1, %broadcast_in_dim3A_76 : vector<16xi1>, vector<16xi32>
        %reduce_min3A = arith.constant true
        %reduce_min3A_78 = vector.broadcast %reduce_min3A : i1 to vector<16xi1>
        %reduce_min3A_79 = arith.constant -2147483648 : i32
        %reduce_min3A_80 = vector.broadcast %reduce_min3A_79 : i32 to vector<16xi32>
        %reduce_min3A_81 = arith.xori %select_n3A_77, %reduce_min3A_80 : vector<16xi32>
        %reduce_min3A_82 = tpu.scan <min>, %reduce_min3A_81 masked %reduce_min3A_78 : vector<16xi32>, vector<16xi1> -> vector<16xi32>
        %reduce_min3A_83 = arith.xori %reduce_min3A_82, %reduce_min3A_80 : vector<16xi32>
        %reduce_min3A_84 = vector.extract %reduce_min3A_83[15] : i32 from vector<16xi32>
        %broadcast_in_dim3A_85 = vector.broadcast %scan3A_54 : i32 to vector<16xi32>
        %broadcast_in_dim3A_86 = vector.broadcast %reduce_min3A_84 : i32 to vector<16xi32>
        %eq3A_87 = arith.constant 0 : i32
        %eq3A_88 = vector.broadcast %eq3A_87 : i32 to vector<16xi32>
        %eq3A_89 = arith.cmpi eq, %iota3A, %eq3A_88 : vector<16xi32>
        tpu.vector_store_idx %arg15[%broadcast_in_dim3A_85], %broadcast_in_dim3A_86 masked %eq3A_89 : memref<128xi32, #tpu.memory_space<vmem>>[vector<16xi32>], vector<16xi32>, vector<16xi1>
        %scan3A_90 = arith.constant 0 : i32
        scf.yield %scan3A_90 : i32
      }
      %scan3A_46 = arith.constant 100 : i32
      %scan3A_47 = arith.constant 0 : i32
      %scan3A_48 = arith.constant 0 : i32
      %scan3A_49 = arith.constant 25 : i32
      %scan3A_50 = arith.addi %scan3A_48, %scan3A_49 : i32
      %scan3A_51 = arith.constant 1 : i32
      %scan3A_52 = scf.for %scan3A_54 = %scan3A_48 to %scan3A_50 step %scan3A_51 iter_args(%scan3A_55 = %scan3A_47) -> (i32)  : i32 {
        %mul3A_56 = arith.constant 4 : i32
        %mul3A_57 = arith.muli %scan3A_54, %mul3A_56 : i32
        %shift_right_arithmetic3A = arith.constant 2 : i32
        %shift_right_arithmetic3A_58 = vector.broadcast %shift_right_arithmetic3A : i32 to vector<16xi32>
        %shift_right_arithmetic3A_59 = arith.shrsi %iota3A, %shift_right_arithmetic3A_58 : vector<16xi32>
        %add3A_60 = vector.broadcast %mul3A_57 : i32 to vector<16xi32>
        %add3A_61 = arith.addi %add3A_60, %shift_right_arithmetic3A_59 : vector<16xi32>
        %gather3A = tpu.vector_load_idx %arg10[%add3A_61] : memref<112xi32, #tpu.memory_space<vmem>>[vector<16xi32>], vector<16xi32>,
        %gather3A_62 = tpu.vector_load_idx %arg11[%add3A_61] : memref<128xf32, #tpu.memory_space<vmem>>[vector<16xi32>], vector<16xf32>,
        %max3A = arith.constant 0 : i32
        %max3A_63 = vector.broadcast %max3A : i32 to vector<16xi32>
        %max3A_64 = arith.maxsi %gather3A, %max3A_63 : vector<16xi32>
        %mul3A_65 = arith.constant 4 : i32
        %mul3A_66 = vector.broadcast %mul3A_65 : i32 to vector<16xi32>
        %mul3A_67 = arith.muli %max3A_64, %mul3A_66 : vector<16xi32>
        %add3A_68 = arith.addi %mul3A_67, %and3A_7 : vector<16xi32>
        %gather3A_69 = tpu.vector_load_idx %arg8[%add3A_68] : memref<80000xf32, #tpu.memory_space<vmem>>[vector<16xi32>], vector<16xf32>,
        %mul3A_70 = arith.mulf %gather3A_69, %gather3A_62 : vector<16xf32>
        tpu.vector_store_idx %arg14[%add3A_61, %and3A_7], %mul3A_70 : memref<112x4xf32, #tpu.memory_space<vmem>>[vector<16xi32>, vector<16xi32>], vector<16xf32>,
        %scan3A_71 = arith.constant 0 : i32
        scf.yield %scan3A_71 : i32
      }
      %scan3A_53 = arith.constant 25 : i32
      "tpu.region"() ({
        %run_scoped3A = tpu.sem_alloc : memref<!tpu.dma_semaphore, #tpu.memory_space<semaphore_mem>>
        %dma_start3A = arith.constant 0 : i32
        %dma_start3A_54 = arith.constant 0 : i32
        %dma_start3A_55 = tpu.memref_slice %arg13[%dma_start3A, %dma_start3A_54] : memref<104x80xf32, #tpu.memory_space<vmem>> -> memref<100x80xf32, #tpu.memory_space<vmem>>
        %dma_start3A_56 = arith.constant 0 : i32
        %dma_start3A_57 = arith.constant 0 : i32
        %dma_start3A_58 = tpu.memref_slice %arg7[%add3A, %dma_start3A_56, %dma_start3A_57] : memref<8x100x80xf32, #tpu.memory_space<hbm>> -> memref<1x100x80xf32, #tpu.memory_space<hbm>>
        %dma_start3A_59 = tpu.memref_squeeze %dma_start3A_58 : memref<1x100x80xf32, #tpu.memory_space<hbm>> -> memref<100x80xf32, #tpu.memory_space<hbm>>
        %dma_start3A_60 = arith.constant 0 : i32
        %dma_start3A_61 = arith.constant 0 : i32
        %dma_start3A_62 = tpu.memref_slice %arg7[%add3A, %dma_start3A_60, %dma_start3A_61] : memref<8x100x80xf32, #tpu.memory_space<hbm>> -> memref<1x100x80xf32, #tpu.memory_space<hbm>>
        %dma_start3A_63 = tpu.memref_squeeze %dma_start3A_62 : memref<1x100x80xf32, #tpu.memory_space<hbm>> -> memref<100x80xf32, #tpu.memory_space<hbm>>
        %dma_start3A_64 = arith.constant 0 : i32
        %dma_start3A_65 = arith.constant 0 : i32
        %dma_start3A_66 = tpu.memref_slice %arg13[%dma_start3A_64, %dma_start3A_65] : memref<104x80xf32, #tpu.memory_space<vmem>> -> memref<100x80xf32, #tpu.memory_space<vmem>>
        tpu.enqueue_dma source(%dma_start3A_66 : memref<100x80xf32, #tpu.memory_space<vmem>>) target(%dma_start3A_63 : memref<100x80xf32, #tpu.memory_space<hbm>>) target_semaphore(%run_scoped3A : memref<!tpu.dma_semaphore, #tpu.memory_space<semaphore_mem>>)
        %dma_wait3A_67 = arith.constant 0 : i32
        %dma_wait3A_68 = arith.constant 0 : i32
        %dma_wait3A_69 = tpu.memref_slice %arg13[%dma_wait3A_67, %dma_wait3A_68] : memref<104x80xf32, #tpu.memory_space<vmem>> -> memref<100x80xf32, #tpu.memory_space<vmem>>
        %dma_wait3A_70 = arith.constant 0 : i32
        %dma_wait3A_71 = arith.constant 0 : i32
        %dma_wait3A_72 = tpu.memref_slice %arg7[%add3A, %dma_wait3A_70, %dma_wait3A_71] : memref<8x100x80xf32, #tpu.memory_space<hbm>> -> memref<1x100x80xf32, #tpu.memory_space<hbm>>
        %dma_wait3A_73 = tpu.memref_squeeze %dma_wait3A_72 : memref<1x100x80xf32, #tpu.memory_space<hbm>> -> memref<100x80xf32, #tpu.memory_space<hbm>>
        %dma_wait3A_74 = arith.constant 0 : i32
        %dma_wait3A_75 = arith.constant 0 : i32
        %dma_wait3A_76 = tpu.memref_slice %arg7[%add3A, %dma_wait3A_74, %dma_wait3A_75] : memref<8x100x80xf32, #tpu.memory_space<hbm>> -> memref<1x100x80xf32, #tpu.memory_space<hbm>>
        %dma_wait3A_77 = tpu.memref_squeeze %dma_wait3A_76 : memref<1x100x80xf32, #tpu.memory_space<hbm>> -> memref<100x80xf32, #tpu.memory_space<hbm>>
        %dma_wait3A_78 = arith.constant 0 : i32
        %dma_wait3A_79 = arith.constant 0 : i32
        %dma_wait3A_80 = tpu.memref_slice %arg13[%dma_wait3A_78, %dma_wait3A_79] : memref<104x80xf32, #tpu.memory_space<vmem>> -> memref<100x80xf32, #tpu.memory_space<vmem>>
        tpu.wait_dma2 semaphore(%run_scoped3A : memref<!tpu.dma_semaphore, #tpu.memory_space<semaphore_mem>>) src(%dma_wait3A_80 : memref<100x80xf32, #tpu.memory_space<vmem>>) dst(%dma_wait3A_77 : memref<100x80xf32, #tpu.memory_space<hbm>>)
        tpu.yield
      }) : () -> ()
      "tpu.region"() ({
        %run_scoped3A = tpu.sem_alloc : memref<!tpu.dma_semaphore, #tpu.memory_space<semaphore_mem>>
        %dma_start3A = arith.constant 0 : i32
        %dma_start3A_54 = arith.constant 0 : i32
        %dma_start3A_55 = tpu.memref_slice %arg14[%dma_start3A, %dma_start3A_54] : memref<112x4xf32, #tpu.memory_space<vmem>> -> memref<100x4xf32, #tpu.memory_space<vmem>>
        %dma_start3A_56 = arith.constant 0 : i32
        %dma_start3A_57 = arith.constant 0 : i32
        %dma_start3A_58 = tpu.memref_slice %arg5[%add3A, %dma_start3A_56, %dma_start3A_57] : memref<8x100x4xf32, #tpu.memory_space<hbm>> -> memref<1x100x4xf32, #tpu.memory_space<hbm>>
        %dma_start3A_59 = tpu.memref_squeeze %dma_start3A_58 : memref<1x100x4xf32, #tpu.memory_space<hbm>> -> memref<100x4xf32, #tpu.memory_space<hbm>>
        %dma_start3A_60 = arith.constant 0 : i32
        %dma_start3A_61 = arith.constant 0 : i32
        %dma_start3A_62 = tpu.memref_slice %arg5[%add3A, %dma_start3A_60, %dma_start3A_61] : memref<8x100x4xf32, #tpu.memory_space<hbm>> -> memref<1x100x4xf32, #tpu.memory_space<hbm>>
        %dma_start3A_63 = tpu.memref_squeeze %dma_start3A_62 : memref<1x100x4xf32, #tpu.memory_space<hbm>> -> memref<100x4xf32, #tpu.memory_space<hbm>>
        %dma_start3A_64 = arith.constant 0 : i32
        %dma_start3A_65 = arith.constant 0 : i32
        %dma_start3A_66 = tpu.memref_slice %arg14[%dma_start3A_64, %dma_start3A_65] : memref<112x4xf32, #tpu.memory_space<vmem>> -> memref<100x4xf32, #tpu.memory_space<vmem>>
        tpu.enqueue_dma source(%dma_start3A_66 : memref<100x4xf32, #tpu.memory_space<vmem>>) target(%dma_start3A_63 : memref<100x4xf32, #tpu.memory_space<hbm>>) target_semaphore(%run_scoped3A : memref<!tpu.dma_semaphore, #tpu.memory_space<semaphore_mem>>)
        %dma_wait3A_67 = arith.constant 0 : i32
        %dma_wait3A_68 = arith.constant 0 : i32
        %dma_wait3A_69 = tpu.memref_slice %arg14[%dma_wait3A_67, %dma_wait3A_68] : memref<112x4xf32, #tpu.memory_space<vmem>> -> memref<100x4xf32, #tpu.memory_space<vmem>>
        %dma_wait3A_70 = arith.constant 0 : i32
        %dma_wait3A_71 = arith.constant 0 : i32
        %dma_wait3A_72 = tpu.memref_slice %arg5[%add3A, %dma_wait3A_70, %dma_wait3A_71] : memref<8x100x4xf32, #tpu.memory_space<hbm>> -> memref<1x100x4xf32, #tpu.memory_space<hbm>>
        %dma_wait3A_73 = tpu.memref_squeeze %dma_wait3A_72 : memref<1x100x4xf32, #tpu.memory_space<hbm>> -> memref<100x4xf32, #tpu.memory_space<hbm>>
        %dma_wait3A_74 = arith.constant 0 : i32
        %dma_wait3A_75 = arith.constant 0 : i32
        %dma_wait3A_76 = tpu.memref_slice %arg5[%add3A, %dma_wait3A_74, %dma_wait3A_75] : memref<8x100x4xf32, #tpu.memory_space<hbm>> -> memref<1x100x4xf32, #tpu.memory_space<hbm>>
        %dma_wait3A_77 = tpu.memref_squeeze %dma_wait3A_76 : memref<1x100x4xf32, #tpu.memory_space<hbm>> -> memref<100x4xf32, #tpu.memory_space<hbm>>
        %dma_wait3A_78 = arith.constant 0 : i32
        %dma_wait3A_79 = arith.constant 0 : i32
        %dma_wait3A_80 = tpu.memref_slice %arg14[%dma_wait3A_78, %dma_wait3A_79] : memref<112x4xf32, #tpu.memory_space<vmem>> -> memref<100x4xf32, #tpu.memory_space<vmem>>
        tpu.wait_dma2 semaphore(%run_scoped3A : memref<!tpu.dma_semaphore, #tpu.memory_space<semaphore_mem>>) src(%dma_wait3A_80 : memref<100x4xf32, #tpu.memory_space<vmem>>) dst(%dma_wait3A_77 : memref<100x4xf32, #tpu.memory_space<hbm>>)
        tpu.yield
      }) : () -> ()
      "tpu.region"() ({
        %run_scoped3A = tpu.sem_alloc : memref<!tpu.dma_semaphore, #tpu.memory_space<semaphore_mem>>
        %dma_start3A = arith.constant 0 : i32
        %dma_start3A_54 = tpu.memref_slice %arg6[%add3A, %dma_start3A] : memref<8x128xi32, #tpu.memory_space<hbm>> -> memref<1x128xi32, #tpu.memory_space<hbm>>
        %dma_start3A_55 = tpu.memref_squeeze %dma_start3A_54 : memref<1x128xi32, #tpu.memory_space<hbm>> -> memref<128xi32, #tpu.memory_space<hbm>>
        %dma_start3A_56 = arith.constant 0 : i32
        %dma_start3A_57 = tpu.memref_slice %arg6[%add3A, %dma_start3A_56] : memref<8x128xi32, #tpu.memory_space<hbm>> -> memref<1x128xi32, #tpu.memory_space<hbm>>
        %dma_start3A_58 = tpu.memref_squeeze %dma_start3A_57 : memref<1x128xi32, #tpu.memory_space<hbm>> -> memref<128xi32, #tpu.memory_space<hbm>>
        tpu.enqueue_dma source(%arg15 : memref<128xi32, #tpu.memory_space<vmem>>) target(%dma_start3A_58 : memref<128xi32, #tpu.memory_space<hbm>>) target_semaphore(%run_scoped3A : memref<!tpu.dma_semaphore, #tpu.memory_space<semaphore_mem>>)
        %dma_wait3A_59 = arith.constant 0 : i32
        %dma_wait3A_60 = tpu.memref_slice %arg6[%add3A, %dma_wait3A_59] : memref<8x128xi32, #tpu.memory_space<hbm>> -> memref<1x128xi32, #tpu.memory_space<hbm>>
        %dma_wait3A_61 = tpu.memref_squeeze %dma_wait3A_60 : memref<1x128xi32, #tpu.memory_space<hbm>> -> memref<128xi32, #tpu.memory_space<hbm>>
        %dma_wait3A_62 = arith.constant 0 : i32
        %dma_wait3A_63 = tpu.memref_slice %arg6[%add3A, %dma_wait3A_62] : memref<8x128xi32, #tpu.memory_space<hbm>> -> memref<1x128xi32, #tpu.memory_space<hbm>>
        %dma_wait3A_64 = tpu.memref_squeeze %dma_wait3A_63 : memref<1x128xi32, #tpu.memory_space<hbm>> -> memref<128xi32, #tpu.memory_space<hbm>>
        tpu.wait_dma2 semaphore(%run_scoped3A : memref<!tpu.dma_semaphore, #tpu.memory_space<semaphore_mem>>) src(%arg15 : memref<128xi32, #tpu.memory_space<vmem>>) dst(%dma_wait3A_64 : memref<128xi32, #tpu.memory_space<hbm>>)
        tpu.yield
      }) : () -> ()
    } else {
    }
    return
  }
}

module attributes {stable_mosaic.version = 14 : i64} {
  func.func @_scores_body(%arg0: i32, %arg1: memref<1x20000x80xf32, #tpu.memory_space<vmem>>, %arg2: memref<1x1x20000xf32, #tpu.memory_space<vmem>>) attributes {dimension_semantics = [#tpu.dimension_semantics<arbitrary>], iteration_bounds = array<i64: 8>, scalar_prefetch = 0 : i64, scratch_operands = 0 : i64, tpu.core_type = #tpu.core_type<tc>, window_params = [{transform_indices = @transform_0, window_bounds = array<i64: 1, 20000, 80>}, {transform_indices = @transform_1, window_bounds = array<i64: 1, 1, 20000>}]} {
    %get3A = arith.constant 0 : index
    %get3A_0 = arith.constant 0 : index
    %get3A_1 = arith.constant 0 : index
    %get3A_2 = vector.load %arg1[%get3A, %get3A_0, %get3A_1] : memref<1x20000x80xf32, #tpu.memory_space<vmem>>, vector<1x20000x80xf32>
    %get3A_3 = vector.shape_cast %get3A_2 : vector<1x20000x80xf32> to vector<20000x80xf32>
    %reduce_max3A = arith.constant dense<0xFF800000> : vector<20000xf32>
    %reduce_max3A_4 = vector.multi_reduction <maximumf>, %get3A_3, %reduce_max3A [1] : vector<20000x80xf32> to vector<20000xf32>
    %gt3A = arith.constant 5.000000e-01 : f32
    %gt3A_5 = vector.broadcast %gt3A : f32 to vector<20000xf32>
    %gt3A_6 = arith.cmpf ogt, %reduce_max3A_4, %gt3A_5 : vector<20000xf32>
    %jit3A = arith.constant -1.000000e+00 : f32
    %broadcast_in_dim3A = vector.broadcast %jit3A : f32 to vector<20000xf32>
    %select_n3A = arith.select %gt3A_6, %reduce_max3A_4, %broadcast_in_dim3A : vector<20000xi1>, vector<20000xf32>
    %reshape3A = vector.shape_cast %select_n3A : vector<20000xf32> to vector<1x1x20000xf32>
    %swap3A = arith.constant 0 : index
    %swap3A_7 = arith.constant 0 : index
    %swap3A_8 = arith.constant 0 : index
    %swap3A_9 = vector.load %arg2[%swap3A, %swap3A_7, %swap3A_8] : memref<1x1x20000xf32, #tpu.memory_space<vmem>>, vector<1x1x20000xf32>
    tpu.vector_store %arg2[%swap3A, %swap3A_7, %swap3A_8], %reshape3A {strides = array<i32>} : memref<1x1x20000xf32, #tpu.memory_space<vmem>>, vector<1x1x20000xf32>,
    return
  }
  func.func @transform_0(%arg0: i32) -> (i32, i32, i32) {
    %c0_i32 = arith.constant 0 : i32
    %c0_i32_0 = arith.constant 0 : i32
    %c0_i32_1 = arith.constant 0 : i32
    return %arg0, %c0_i32, %c0_i32_0 : i32, i32, i32
  }
  func.func @transform_1(%arg0: i32) -> (i32, i32, i32) {
    %c0_i32 = arith.constant 0 : i32
    %c0_i32_0 = arith.constant 0 : i32
    %c0_i32_1 = arith.constant 0 : i32
    return %arg0, %c0_i32, %c0_i32_0 : i32, i32, i32
  }
}

</mosaic_0001>

<sc_bundles>
// kernel: kernel.4.cloned.1.call-start
scs
__scs_entry_jumppad:
0x0: {  	(pc) =	sbr.rel $0x88, $3  }
0x1: {  	(tag) =	ssettag $0x0;
	lr =	simm.s32 $0x1  }
0x2: {  	[smem:$0x3F9F] =	sst lr;
	_ =	strace $0xD0000000  }
0x3: {  	_ = 	snop  }
0x4: {  	_ = 	snop  }
0x5: {  	_ = 	snop  }
0x6: {  	_ = 	snop  }
0x7: {  	_ = 	snop  }
__scs_overlays_trampoline_lowered:
0x8: {  	[smem:$0x3FAE] =	sst s0  }
0x9: {  	[smem:$0x3FAF] =	sst s1  }
0xa: {  	[smem:$0x3FB0] =	sst s2  }
0xb: {  	[smem:$0x3FB1] =	sst s3  }
0xc: {  	[smem:$0x3FB2] =	sst s4  }
0xd: {  	[smem:$0x3FB3] =	sst s5  }
0xe: {  	[smem:$0x3FB4] =	sst s6  }
0xf: {  	[smem:$0x3FB5] =	sst s7  }
0x10: {  	[smem:$0x3FB6] =	sst s8  }
0x11: {  	[smem:$0x3FB7] =	sst s9;
	s0 =	simm.s32 @!p0 $0x0  }
0x12: {  	s1 =	sld [smem:$0x3F9D];
	s0 =	simm.s32 @p0 $0x1  }
0x13: {  	[smem:$0x3FB8] =	sst s0;
	s0 =	simm.s32 @!p1 $0x0  }
0x14: {  	s2 =	sld [smem:$0x3F9C];
	s0 =	simm.s32 @p1 $0x1  }
0x15: {  	[smem:$0x3FB9] =	sst s0;
	s0 =	simm.s32 @!p2 $0x0  }
0x16: {  	s3 =	sld [smem:$0x3FDB];
	s0 =	simm.s32 @p2 $0x1  }
0x17: {  	s4 =	simm.s32 $0x1BF5;
	[smem:$0x3FBB] =	sst s0  }
0x18: {  	s0 =	sld [smem:$0x3F9E];
	_ =	swait.ge [sflag:s4], $0x0  }
0x19: {  	s7 =	sld [smem:$0x3F9F]  }
0x1a: {  	s8 =	sadd.s32 $0xFFFFE003, lr  }
0x1b: {  	s9 =	sadd.s32 $0xFFFFFEF7, lr;
	s5 =	simm.s32 $0xFFFFFFFF;
	p2 =	slt.u32 s8, $0xFFFFF086  }
0x1c: {  	p1 =	slt.u32 s9, $0xF7A;
	s5 =	simm.s32 @!p2 $0x0  }
0x1d: {  	s5 =	simm.s32 @p1 $0x1;
	p0 =	seq.s32 s7, s2  }
0x1e: {  	s7 =	smul.u32 @!p0 $0xF7A, s2;
	p2 =	seq.s32 @!p0 s5, $0x0  }
0x1f: {  	s9 =	smul.u32 $0xF7A, s1;
	s8 =	simm.s32 @!p0 $0x1BF5;
	p2 =	por !p2, p0  }
0x20: {  	[sflag:s8] =	ssyncset.s32 @!p0 $0xFFFFF086;
	s6 =	sadd.s32 @!p0 s3, s7;
	s7 =	simm.s32 @!p0 $0x108  }
0x21: {  	s3 =	sadd.s32 s3, s9;
	s6 =	sadd.s32 @!p0 $0x88, s6;
	s7 =	simm.s32 @p2 $0x1082  }
0x22: {  	[simem:s7], [sflag:s8] =	dma.local @!p0 [hbm:s6], $0xF7A  }
0x23: {  	s9 =	sor.u32 $0xD0000000, s2;
	s6 =	simm.s32 $0x108;
	_ =	swait.ge @!p0 [sflag:s8], $0x0  }
0x24: {  	s3 =	sadd.s32 $0x88, s3;
	s6 =	simm.s32 @!p1 $0x1082;
	[sflag:s4] =	ssyncset.s32 $0xFFFFF086  }
0x25: {  	[simem:s6], [sflag:s4] =	dma.local [hbm:s3], $0xF7A  }
0x26: {  	[smem:$0x3F9F] =	sst s1;
	(tag) =	ssettag s2;
	_ =	strace s9  }
0x27: {  	s1 =	sld [smem:$0x3FAF]  }
0x28: {  	s2 =	sld [smem:$0x3FB0]  }
0x29: {  	s4 =	sld [smem:$0x3FB2]  }
0x2a: {  	p0 =	seq.s32 s5, $0x0;
	s5 =	sld [smem:$0x3FB3]  }
0x2b: {  	s6 =	sld [smem:$0x3FB4]  }
0x2c: {  	s7 =	sld [smem:$0x3FB5]  }
0x2d: {  	s3 =	simm.s32 $0x108;
	s8 =	sld [smem:$0x3FB6]  }
0x2e: {  	s3 =	simm.s32 @!p0 $0x1082;
	s9 =	sld [smem:$0x3FB7]  }
0x2f: {  	lr =	sadd.s32 s0, s3;
	s0 =	sld [smem:$0x3FAE]  }
0x30: {  	s3 =	sld [smem:$0x3FB1]  }
0x31: {  	[smem:$0x3FBA] =	sst s10  }
0x32: {  	s10 =	sld [smem:$0x3FB8];
	_ =	sdelay $0x3  }
0x33: {  	p0 =	seq.s32 s10, $0x1;
	s10 =	sld [smem:$0x3FBA];
	_ =	sdelay $0x3  }
0x34: {  	[smem:$0x3FBA] =	sst s10  }
0x35: {  	s10 =	sld [smem:$0x3FB9];
	_ =	sdelay $0x3  }
0x36: {  	p1 =	seq.s32 s10, $0x1;
	s10 =	sld [smem:$0x3FBA];
	_ =	sdelay $0x3  }
0x37: {  	[smem:$0x3FBA] =	sst s10  }
0x38: {  	s10 =	sld [smem:$0x3FBB]  }
0x39: {  	_ = 	snop;
	(pc) =	sbr.ind lr, $3  }
0x3a: {  	_ = 	snop  }
0x3b: {  	_ = 	snop  }
0x3c: {  	p2 =	seq.s32 s10, $0x1;
	s10 =	sld [smem:$0x3FBA]  }
0x3d: {  	_ =	shalt  }
0x3e: {  	_ =	shalt  }
0x3f: {  	_ =	shalt  }
0x40: {  	_ =	shalt  }
0x41: {  	_ =	shalt  }
0x42: {  	_ =	shalt  }
0x43: {  	_ =	shalt  }
0x44: {  	_ =	shalt  }
0x45: {  	_ =	shalt  }
0x46: {  	_ =	shalt  }
0x47: {  	_ =	shalt  }
0x48: {  	_ =	shalt  }
0x49: {  	_ =	shalt  }
0x4a: {  	_ =	shalt  }
0x4b: {  	_ =	shalt  }
0x4c: {  	_ =	shalt  }
0x4d: {  	_ =	shalt  }
0x4e: {  	_ =	shalt  }
0x4f: {  	_ =	shalt  }
0x50: {  	_ =	shalt  }
0x51: {  	_ =	shalt  }
0x52: {  	_ =	shalt  }
0x53: {  	_ =	shalt  }
0x54: {  	_ =	shalt  }
0x55: {  	_ =	shalt  }
0x56: {  	_ =	shalt  }
0x57: {  	_ =	shalt  }
0x58: {  	_ =	shalt  }
0x59: {  	_ =	shalt  }
0x5a: {  	_ =	shalt  }
0x5b: {  	_ =	shalt  }
0x5c: {  	_ =	shalt  }
0x5d: {  	_ =	shalt  }
0x5e: {  	_ =	shalt  }
0x5f: {  	_ =	shalt  }
0x60: {  	_ =	shalt  }
0x61: {  	_ =	shalt  }
0x62: {  	_ =	shalt  }
0x63: {  	_ =	shalt  }
0x64: {  	_ =	shalt  }
0x65: {  	_ =	shalt  }
0x66: {  	_ =	shalt  }
0x67: {  	_ =	shalt  }
0x68: {  	_ =	shalt  }
0x69: {  	_ =	shalt  }
0x6a: {  	_ =	shalt  }
0x6b: {  	_ =	shalt  }
0x6c: {  	_ =	shalt  }
0x6d: {  	_ =	shalt  }
0x6e: {  	_ =	shalt  }
0x6f: {  	_ =	shalt  }
0x70: {  	_ =	shalt  }
0x71: {  	_ =	shalt  }
0x72: {  	_ =	shalt  }
0x73: {  	_ =	shalt  }
0x74: {  	_ =	shalt  }
0x75: {  	_ =	shalt  }
0x76: {  	_ =	shalt  }
0x77: {  	_ =	shalt  }
0x78: {  	_ =	shalt  }
0x79: {  	_ =	shalt  }
0x7a: {  	_ =	shalt  }
0x7b: {  	_ =	shalt  }
0x7c: {  	_ =	shalt  }
0x7d: {  	_ =	shalt  }
0x7e: {  	_ =	shalt  }
0x7f: {  	_ =	shalt  }
0x80: {  	_ =	shalt  }
0x81: {  	_ =	shalt  }
0x82: {  	_ =	shalt  }
0x83: {  	_ =	shalt  }
0x84: {  	_ =	shalt  }
0x85: {  	_ =	shalt  }
0x86: {  	_ =	shalt  }
0x87: {  	_ =	shalt  }
.Lfunc_end0:
.L_simem_size_0:
called_computation_lowered:
.L_overlay_start_0:
0x88: {  	s2 =	sld [smem:$0x3FD9]  }
0x89: {  	s3 =	sld [smem:$0x3FFE];
	_ =	sdelay $0x1  }
0x8a: {  	s1 =	srdreg.scid  }
0x8b: {  	s0 =	sand.u32 $0x1, s1  }
0x8c: {  	s14 =	sshll.u32 s0, $0xA;
	s2 =	sadd.s32 s3, s2  }
0x8d: {  	s2 =	sadd.s32 s2, s14  }
0x8e: {  	[smem:$0x3FC6] =	sst s2  }
0x8f: {  	_ = 	snop  }
0x90: {  	s2 =	sld [smem:$0x3FD0];
	_ =	sdelay $0x2  }
0x91: {  	s15 =	simm.s32 $0xA;
	s4 =	simm.s32 $0x10  }
0x92: {  	[smem:s4], [sflag:s15] =	dma.local [hbm:s2], $0x1  }
0x93: {  	_ =	swait.eq [sflag:s15], $0x1  }
0x94: {  	[sflag:s15] =	ssyncset.done $0x0  }
0x95: {  	[sflag:s15] =	ssyncadd.s32 $0xFFFFFFFF  }
0x96: {  	s16 =	sld [smem:$0x11];
	(tm) =	ssettm $0x1  }
0x97: {  	s17 =	sld [smem:$0x3FFB];
	_ =	sdelay $0x3  }
0x98: {  	_ =	strace s17  }
0x99: {  	s3 =	sld [smem:$0x3FFC];
	_ =	sdelay $0x3  }
0x9a: {  	_ =	strace s3  }
0x9b: {  	s3 =	sld [smem:$0x3FFD];
	_ =	sdelay $0x3  }
0x9c: {  	_ =	strace s3  }
0x9d: {  	_ =	strace $0x8FFFFFFF  }
0x9e: {  	s18 =	sld [smem:$0x3FDB];
	_ =	sdelay $0x1  }
0x9f: {  	s19 =	simm.s32 $_scs_section_size  }
0xa0: {  	s5 =	simm.s32 $_size__tile_overlayer_lowered;
	s6 =	simm.s32 $_tile_overlayer_lowered  }
0xa1: {  	s22 =	simm.s32 $0x1BFF;
	s21 =	sshll.u32 s6, $0x1;
	s3 =	sadd.s32 s19, s18  }
0xa2: {  	s7 =	simm.s32 $0x0;
	s20 =	sshll.u32 s5, $0x1;
	s5 =	sadd.s32 s21, s3  }
0xa3: {  	[timem:s7], [sflag:s22] =	dma.local [hbm:s5], s20  }
0xa4: {  	_ =	swait.ge [sflag:s22], s20  }
0xa5: {  	s4 =	ssub.s32 $0x0, s20;
	[sflag:s22] =	ssyncset.done $0x0  }
0xa6: {  	[sflag:s22] =	ssyncadd.s32 s4;
	_ =	sdelay $0x1  }
0xa7: {  	s23 =	simm.s32 $0x1B8B  }
0xa8: {  	_ =	swait.ge [sflag:s23], $0x1  }
0xa9: {  	[sflag:s23] =	ssyncset.done $0x0  }
0xaa: {  	s25 =	simm.s32 $0x1B8E;
	s24 =	sld [smem:$0x3FFE];
	[sflag:s23] =	ssyncadd.s32 $0xFFFFFFFF  }
0xab: {  	s26 =	simm.s32 $execute0_lowered;
	[smem:$0x3FD2] =	sst s25  }
0xac: {  	s5 =	sshll.u32 s26, $0x1;
	_ =	strace $0x80000046;
	[dreg:$0x1] =	wrdreg $0xFFFFFFFF  }
0xad: {  	s28 =	simm.s32 $_size_execute0_lowered;
	s3 =	sadd.s32 s3, s5;
	[dreg:$0x0] =	wrdreg $0x0  }
0xae: {  	s5 =	sshll.u32 s28, $0x1;
	[dreg:$0x2] =	wrdreg s3  }
0xaf: {  	[dreg:$0x3] =	wrdreg s5  }
0xb0: {  	[dreg:$0x4] =	wrdreg $0xC0  }
0xb1: {  	_ =	task [dreg:s7], $0x5FFFF  }
0xb2: {  	[dreg:$0x1] =	wrdreg $0xFFFFFFFF  }
0xb3: {  	[dreg:$0x0] =	wrdreg $0x60  }
0xb4: {  	[dreg:$0x2] =	wrdreg s24  }
0xb5: {  	[dreg:$0x3] =	wrdreg s16  }
0xb6: {  	[dreg:$0x4] =	wrdreg $0x9  }
0xb7: {  	_ =	task.clear_ibuf [dreg:s7], $0x5FFFF;
	_ =	strace $0x90000046  }
0xb8: {  	s29 =	simm.s32 $0x9;
	_ =	strace $0x80000048  }
0xb9: {  	_ =	swait.ge [sflag:s29], $0x1  }
0xba: {  	[sflag:s29] =	ssyncadd.s32 $0xFFFFFFFF  }
0xbb: {  	_ =	strace $0x90000048  }
0xbc: {  	_ =	sfence  }
0xbd: {  	s30 =	sld [smem:$0x0];
	_ =	sdelay $0x2  }
0xbe: {  	s31 =	sshll.u32 s1, $0xD;
	s1 =	sshrl.u32 s1, $0x2  }
0xbf: {  	s3 =	sand.u32 $0x4000, s31;
	s1 =	sadd.s32 s1, s30  }
0xc0: {  	s0 =	sor.u32 s3, s0;
	s1 =	sshll.u32 s1, $0x11  }
0xc1: {  	s0 =	sor.u32 s1, s0  }
0xc2: {  	s0 =	sadd.s32 $0x8F2B, s0  }
0xc3: {  	[sflag:s0] =	ssyncadd.remote.s32 $0x1  }
0xc4: {  	_ =	sfence.sel $0xFFFF  }
0xc5: {  	[dreg:$0x0] =	wrdreg $0xFFFFFFFF;
	(pc) =	sbr.abs _section_cstart, $3  }
0xc6: {  	[dreg:$0x1] =	wrdreg $0xFFFFFFFF  }
0xc7: {  	_ =	task.clear_ibuf [dreg:s7], $0x2FFFF;
	_ =	strace $0x9FFFFFFF  }
0xc8: {  	(tm) =	ssettm $0x7FFFFFFF  }
0xc9: {  	_ =	shalt  }
tec
execute0_lowered:
.L_overlay_start_1:
0x0: {  	(tag) =	ssettag $0x1  }
0x1: {  	s1 =	stileid.u32  }
0x2: {  	p0 =	sgt.u32 s1, $0x3  }
.Ltmp0:
0x3: {  	_ = 	snop;
	(pc) =	sbr.rel @p0 .LBB2_21-.Ltmp0, $4  }
0x4: {  	s4 =	rddreg [dreg:$0x0]  }
0x5: {  	s7 =	rddreg [dreg:$0x1];
	s2 =	simm.s32 $0x0  }
0x6: {  	[smem:$0x7FF] =	sst s2  }
0x7: {  	s0 =	rddreg [dreg:$0x2];
	_ =	strace $0x80000047  }
0x8: {  	s3 =	srdreg.scid;
	s29 =	sshll.u32 s1, $0x1  }
0x9: {  	s9 =	sadd.s32 $0x139200, s4;
	s13 =	simm.s32 $0x13880;
	s14 =	simm.s32 $0x18700  }
0xa: {  	s15 =	simm.s32 $0x1;
	s16 =	simm.s32 $0x1F480;
	s5 =	sand.u32 $0x1, s3  }
0xb: {  	s17 =	simm.s32 $0x18780;
	s18 =	simm.s32 $0x1BC80;
	s6 =	sor.u32 s5, s29  }
0xc: {  	v2 =	vimm.s32 $0x0;
	vm0 =	vcmask $0xB08;
	v0 =	vlaneseq.u32;
	s19 =	simm.s32 $0x18880;
	s20 =	simm.s32 $0x0;
	s3 =	smul.u32 $0x9D0, s6  }
0xd: {  	vm1 =	vcmask $0x308;
	vm2 =	vcmask $0x70C;
	vm3 =	vcmask $0xB10;
	s30 =	ssub.s32 $0x2, s5;
	s8 =	smul.u32 $0x680, s6;
	s12 =	sshll.u32 s6, $0x4  }
0xe: {  	v9 =	vimm.f32 $0.0e+00;
	v2 =	vsel vm0, $0xFFFFFFFF, v2;
	v3 =	vmul.u32 $0x4, v0;
	s11 =	smul.u32 $0x4E20, s6;
	s31 =	sshrl.u32 s30, $0x1;
	s7 =	sadd.s32 s7, s12  }
0xf: {  	v4 =	vand.u32 $0x3, v0;
	vm0 =	vmmov $0x1;
	v10 =	vor.u32 $0x80000010, v0;
	s10 =	sadd.s32 s3, s4;
	s3 =	sadd.s32 $0x14CC00, s4;
	s8 =	sadd.s32 s8, s4  }
0x10: {  	v8 =	vor.u32 $0x80000000, v0;
	v11 =	vor.u32 $0x80000020, v0;
	v1 =	vmov s11;
	s11 =	simm.s32 $0x400;
	s4 =	sadd.s32 $0xA00, s10;
	s5 =	sadd.s32 $0x8E00, s8  }
0x11: {  	v12 =	vor.u32 $0x80000030, v0;
	v13 =	vor.u32 $0x80000040, v0;
	v14 =	vshrl.u32 v0, $0x2;
	s6 =	sadd.s32 $0x5A00, s8;
	s10 =	ssub.s32 s30, s31;
	s8 =	sadd.s32 s9, s12  }
0x12: {  	v5 =	vor.u32 $0x1, v3;
	v6 =	vor.u32 $0x2, v3;
	v7 =	vor.u32 $0x3, v3;
	s12 =	simm.s32 $0x2;
	s9 =	smax.u32 s10, $0x1;
	s10 =	simm.s32 $0x80  }
.LBB2_2:
0x13: {  	s21 =	simm.s32 $0x0  }
0x14: {  	[tilespmem:s21], [sflag:$0x2] =	stream.strided.gather [hbm4b:s8+s10], $0x13880, s11, s10, $0x38;
	[tilespmem:$0x1F580] =	vst v63  }
0x15: {  	_ =	swait.ge [sflag:s12], $0x13880  }
0x16: {  	[sflag:s12] =	ssyncset.done $0x0  }
0x17: {  	[sflag:s12] =	ssyncadd.s32 $0xFFFEC780  }
0x18: {  	[tilespmem:s13], [sflag:$0x2] =	stream.linear.gather [hbm4b:s4+s21], $0x4E80, $0x38;
	[tilespmem:$0x1F580] =	vst v63  }
.Ltmp1:
0x19: {  	_ = 	snop;
	(pc) =	sbr.rel .LBB2_3-.Ltmp1, $4  }
0x1a: {  	_ =	swait.ge [sflag:s12], $0x4E80  }
0x1b: {  	[sflag:s12] =	ssyncset.done $0x0  }
0x1c: {  	[sflag:s12] =	ssyncadd.s32 $0xFFFFB180  }
0x1d: {  	v15 =	vmov v2;
	s22 =	simm.s32 $0x0;
	[tilespmem:$0x1F500] =	vst v2  }
.LBB2_10:
0x1e: {  	s25 =	simm.s32 $0x1;
	s24 =	simm.s32 @p2 $0xFFFFFFFF  }
0x1f: {  	s25 =	simm.s32 @!p1 $0x0;
	s24 =	simm.s32 @!p0 $0xFFFFFFFF  }
0x20: {  	vm4 =	veq.s32 v0, $0x0;
	p0 =	por !p1, !p1;
	s23 =	sadd.s32 s25, s23;
	s25 =	simm.s32 $0x1;
	v15 =	vmov s24  }
0x21: {  	s25 =	simm.s32 @!p0 $0x0;
	v15 =	vsel vm4, s23, v15;
	vm4 =	veq.s32 v0, $0x1  }
0x22: {  	v15 =	vsel vm4, s25, v15  }
0x23: {  	[tilespmem:$0x1F500] =	vst v15  }
.LBB2_11:
0x24: {  	s22 =	sadd.s32 $0x1, s22  }
0x25: {  	p0 =	sne.s32 s22, $0x64  }
.Ltmp2:
0x26: {  	_ = 	snop;
	(pc) =	sbr.rel @!p0 .LBB2_12-.Ltmp2, $1  }
0x27: {  	_ =	sdelay $0x3  }
.LBB2_3:
0x28: {  	(v2sf) =	vpush v15, $0x0  }
0x29: {  	(v2sf) =	vpush v15, $0x1;
	_ =	sdelay $0xd  }
0x2a: {  	s23 =	spop (v2sf)  }
0x2b: {  	s24 =	spop (v2sf)  }
0x2c: {  	p0 =	sne.s32 s24, $0x0  }
.Ltmp3:
0x2d: {  	_ = 	snop;
	(pc) =	sbr.rel @p0 .LBB2_11-.Ltmp3, $1  }
0x2e: {  	_ =	sdelay $0x3  }
0x2f: {  	s24 =	simm.s32 $0x13880  }
0x30: {  	v17 =	vld [tilespmem:s24+$0x0];
	_ =	sdelay $0x3  }
0x31: {  	v18 =	vimm.f32 $-2.000000000e+00  }
0x32: {  	v16 =	vimm.s32 $0x0;
	v19 =	vor.u32 s21, v0;
	s25 =	simm.s32 $0x13890;
	s24 =	simm.s32 $0x10;
	vm4 =	vgt.f32 v17, v18  }
.LBB2_5:
0x33: {  	p0 =	sne.s32 s24, $0x4E10;
	v18 =	vsel vm4, v17, v18;
	v17 =	vld [tilespmem:s25+$0x0];
	v16 =	vsel vm4, v19, v16;
	s26 =	smov.u32 s24;
	s24 =	sadd.s32 $0x10, s24  }
.Ltmp4:
0x34: {  	(pc) =	sbr.rel @p0 .LBB2_5-.Ltmp4, $2  }
0x35: {  	_ =	sdelay $0x2  }
0x36: {  	s25 =	sadd.s32 $0x10, s25;
	v19 =	vor.u32 s26, v0;
	vm4 =	vgt.f32 v17, v18  }
0x37: {  	v17 =	vsel vm4, v17, v18  }
0x38: {  	(xrf0) =	vmax.scan.msk.f32 $0xffff, v17;
	_ =	sdelay $0x5  }
0x39: {  	v18, _, _ =	vpop (xrf0)  }
0x3a: {  	v20 =	vbroadcast v18, $0xF  }
0x3b: {  	v16 =	vsel vm4, v19, v16  }
0x3c: {  	v16 =	vxor.u32 $0x80000000, v16;
	vm4 =	veq.f32 v17, v20  }
0x3d: {  	v16 =	vnsel vm4, $0xC0000000, v16  }
0x3e: {  	(xrf0) =	vmin.scan.msk.u32 $0xffff, v16;
	_ =	sdelay $0x5  }
0x3f: {  	(v2sf) =	vpush v18, $0xF;
	v16, _, _ =	vpop (xrf0)  }
0x40: {  	(v2sf) =	vpush v16, $0xF;
	_ =	sdelay $0xd  }
0x41: {  	s24 =	spop (v2sf)  }
0x42: {  	s26 =	spop (v2sf)  }
0x43: {  	s25 =	sshll.u32 s26, $0x2  }
0x44: {  	v16 =	vor.u32 s25, v4;
	_ =	sdelay $0x4  }
0x45: {  	v16 =	vld.idx.msk [tilespmem:v16+s2+$0x0], $0xffff;
	_ =	sdelay $0x4  }
0x46: {  	v17 =	vnsel vm0, $0xC1100000, v16  }
0x47: {  	(xrf0) =	vmax.scan.msk.f32 $0xffff, v17;
	v17 =	vsel vm1, $0xC1100000, v16  }
0x48: {  	(xrf0) =	vmax.scan.msk.f32 $0xffff, v17;
	v17 =	vsel vm2, $0xC1100000, v16  }
0x49: {  	v16 =	vsel vm3, $0xC1100000, v16;
	(xrf0) =	vmax.scan.msk.f32 $0xffff, v17  }
0x4a: {  	(xrf0) =	vmax.scan.msk.f32 $0xffff, v16;
	_ =	sdelay $0x2  }
0x4b: {  	v16, _, _ =	vpop (xrf0)  }
0x4c: {  	v19, _, _ =	vpop (xrf0);
	(v2sf) =	vpush v16, $0xF  }
0x4d: {  	v17, _, _ =	vpop (xrf0);
	(v2sf) =	vpush v19, $0xF  }
0x4e: {  	(v2sf) =	vpush v17, $0xF;
	v20, _, _ =	vpop (xrf0)  }
0x4f: {  	(v2sf) =	vpush v20, $0xF;
	_ =	sdelay $0xb  }
0x50: {  	s30 =	spop (v2sf)  }
0x51: {  	s28 =	spop (v2sf)  }
0x52: {  	s29 =	spop (v2sf)  }
0x53: {  	s25 =	ssub.f32 s29, s30;
	s31 =	spop (v2sf)  }
0x54: {  	s28 =	ssub.f32 s31, s28;
	_ =	sdelay $0x1  }
0x55: {  	s25 =	smax.f32 s25, $0.0e+00;
	s28 =	smax.f32 s28, $0.0e+00  }
0x56: {  	s25 =	smul.f32 s28, s25;
	_ =	sdelay $0x1  }
0x57: {  	p0 =	sgt.f32 s24, $5.000000000e-01;
	p2 =	sne.f32 s25, $0.0e+00  }
0x58: {  	_ = 	snop  }
0x59: {  	p1 =	por !p0, !p2  }
0x5a: {  	p1 =	por !p1, !p1  }
.Ltmp5:
0x5b: {  	_ = 	snop;
	(pc) =	sbr.rel @!p1 .LBB2_10-.Ltmp5, $2  }
0x5c: {  	_ =	sdelay $0x2  }
0x5d: {  	s24 =	sxor.u32 $0x80000000, s26  }
0x5e: {  	v15 =	vbroadcast v15, $0x0  }
0x5f: {  	s26 =	simm.s32 $0x0  }
0x60: {  	v18 =	vor.u32 s26, v6  }
0x61: {  	v21 =	vor.u32 s26, v3  }
0x62: {  	v22 =	vor.u32 s26, v7  }
0x63: {  	v23 =	vmov s24;
	v24 =	vor.u32 s26, v5  }
0x64: {  	[tilespmem:v15+s14+$0x0] =	vst.idx.msk $0x1, v23  }
0x65: {  	v23 =	vld.idx.msk [tilespmem:v18+s2+$0x0], $0xffff  }
0x66: {  	v21 =	vld.idx.msk [tilespmem:v21+s2+$0x0], $0xffff  }
0x67: {  	v22 =	vld.idx.msk [tilespmem:v22+s2+$0x0], $0xffff  }
0x68: {  	v24 =	vld.idx.msk [tilespmem:v24+s2+$0x0], $0xffff;
	_ =	sdelay $0x1  }
0x69: {  	v18 =	vbroadcast v17, $0xF  }
0x6a: {  	v17 =	vbroadcast v16, $0xF  }
0x6b: {  	v15 =	vbroadcast v19, $0xF;
	v16 =	vbroadcast v20, $0xF;
	v19 =	vmin.f32 v18, v23  }
0x6c: {  	v20 =	vmax.f32 v17, v21;
	v21 =	vsub.f32 v23, v21;
	v23 =	vsub.f32 v22, v24  }
0x6d: {  	v24 =	vmax.f32 v15, v24;
	v22 =	vmin.f32 v16, v22;
	v20 =	vsub.f32 v19, v20  }
0x6e: {  	v22 =	vsub.f32 v22, v24;
	v19 =	vmax.f32 v21, $0.0e+00;
	v21 =	vmax.f32 v23, $0.0e+00  }
0x6f: {  	v21 =	vmul.f32 v21, v19  }
0x70: {  	s28 =	simm.s32 $0x0;
	v19 =	vmov s25;
	v20 =	vmax.f32 v20, $0.0e+00;
	v22 =	vmax.f32 v22, $0.0e+00  }
0x71: {  	v24 =	vld [tilespmem:s28+$0x13880];
	v20 =	vmul.f32 v22, v20;
	v21 =	vadd.f32 v21, v19  }
0x72: {  	s25 =	simm.s32 $0x40  }
0x73: {  	v23 =	vadd.f32 v20, v20;
	v22 =	vsub.f32 v21, v20;
	v20 =	vor.u32 s25, v6  }
0x74: {  	v21 =	vor.u32 s25, v3  }
0x75: {  	vm4 =	vgt.f32 v23, v22;
	v22 =	vor.u32 s25, v7  }
0x76: {  	s26 =	simm.s32 $0x80;
	v23 =	vor.u32 s25, v5;
	v24 =	vsel vm4, $0xBF800000, v24  }
.LBB2_8:
0x77: {  	p3 =	sne.s32 s26, $0x13840;
	[tilespmem:s28+$0x13880] =	vst v24  }
0x78: {  	v20 =	vld.idx.msk [tilespmem:v20+s2+$0x0], $0xffff  }
0x79: {  	v21 =	vld.idx.msk [tilespmem:v21+s2+$0x0], $0xffff  }
0x7a: {  	v22 =	vld.idx.msk [tilespmem:v22+s2+$0x0], $0xffff  }
0x7b: {  	v23 =	vld.idx.msk [tilespmem:v23+s2+$0x0], $0xffff;
	_ =	sdelay $0x4  }
0x7c: {  	v24 =	vmin.f32 v18, v20  }
0x7d: {  	v25 =	vmax.f32 v17, v21;
	v20 =	vsub.f32 v20, v21;
	v21 =	vsub.f32 v22, v23  }
0x7e: {  	v24 =	vsub.f32 v24, v25;
	v23 =	vmax.f32 v15, v23;
	v22 =	vmin.f32 v16, v22  }
0x7f: {  	v20 =	vmax.f32 v20, $0.0e+00;
	v22 =	vsub.f32 v22, v23;
	v21 =	vmax.f32 v21, $0.0e+00  }
0x80: {  	v20 =	vmul.f32 v21, v20  }
0x81: {  	s28 =	sshra.s32 s25, $0x2;
	s25 =	smov.u32 s26;
	v21 =	vmax.f32 v24, $0.0e+00;
	v22 =	vmax.f32 v22, $0.0e+00  }
0x82: {  	v21 =	vmul.f32 v22, v21;
	v22 =	vadd.f32 v20, v19;
	v24 =	vld [tilespmem:s28+$0x13880]  }
.Ltmp6:
0x83: {  	(pc) =	sbr.rel @p3 .LBB2_8-.Ltmp6, $4  }
0x84: {  	v20 =	vor.u32 s26, v6;
	v25 =	vadd.f32 v21, v21;
	v23 =	vsub.f32 v22, v21  }
0x85: {  	v21 =	vor.u32 s26, v3  }
0x86: {  	v22 =	vor.u32 s26, v7;
	vm4 =	vgt.f32 v25, v23  }
0x87: {  	s26 =	sadd.s32 $0x40, s26;
	v23 =	vor.u32 s25, v5;
	v24 =	vsel vm4, $0xBF800000, v24  }
0x88: {  	_ =	sdelay $0x2  }
0x89: {  	[tilespmem:s28+$0x13880] =	vst v24  }
0x8a: {  	v20 =	vld.idx.msk [tilespmem:v20+s2+$0x0], $0xffff  }
0x8b: {  	v21 =	vld.idx.msk [tilespmem:v21+s2+$0x0], $0xffff  }
0x8c: {  	v22 =	vld.idx.msk [tilespmem:v22+s2+$0x0], $0xffff  }
0x8d: {  	v23 =	vld.idx.msk [tilespmem:v23+s2+$0x0], $0xffff;
	_ =	sdelay $0x3  }
0x8e: {  	v18 =	vmin.f32 v18, v20  }
0x8f: {  	v17 =	vmax.f32 v17, v21;
	v20 =	vsub.f32 v20, v21;
	v60 =	vsub.f32 v22, v23  }
0x90: {  	v15 =	vmax.f32 v15, v23;
	v16 =	vmin.f32 v16, v22;
	v17 =	vsub.f32 v18, v17  }
0x91: {  	v15 =	vsub.f32 v16, v15;
	v61 =	vmax.f32 v20, $0.0e+00;
	v62 =	vmax.f32 v60, $0.0e+00  }
0x92: {  	v16 =	vmul.f32 v62, v61  }
0x93: {  	s25 =	sshra.s32 s25, $0x2;
	v17 =	vmax.f32 v17, $0.0e+00;
	v15 =	vmax.f32 v15, $0.0e+00  }
0x94: {  	v63 =	vld [tilespmem:s25+$0x13880];
	v15 =	vmul.f32 v15, v17;
	v16 =	vadd.f32 v16, v19;
	_ =	sdelay $0x1  }
.Ltmp7:
0x95: {  	v16 =	vsub.f32 v16, v15;
	v15 =	vadd.f32 v15, v15;
	(pc) =	sbr.rel .LBB2_10-.Ltmp7, $4  }
0x96: {  	_ = 	snop  }
0x97: {  	vm4 =	vgt.f32 v15, v16  }
0x98: {  	v15 =	vsel vm4, $0xBF800000, v63  }
0x99: {  	[tilespmem:s25+$0x13880] =	vst v15  }
.LBB2_12:
0x9a: {  	s22 =	simm.s32 $0x18700  }
0x9b: {  	v17 =	vld [tilespmem:s22+$0x0];
	_ =	sdelay $0x1  }
0x9c: {  	v16 =	vbroadcast v15, $0x0;
	s21 =	simm.s32 $0x0  }
0x9d: {  	v15 =	vbroadcast v15, $0x2;
	v18 =	vor.u32 s21, v0  }
0x9e: {  	vm4 =	vlt.s32 v18, v16  }
0x9f: {  	v17 =	vsel vm4, v17, v15  }
0xa0: {  	vm4 =	vgt.s32 v17, $0xFFFFFFFF;
	vm5 =	vgt.s32 v17, $0x0  }
0xa1: {  	s21 =	simm.s32 $0x18780;
	[tilespmem:s22+$0x0] =	vst v17;
	v18 =	vsel vm4, $0x3F800000, v9;
	v17 =	vnsel vm5, $0x0, v17  }
0xa2: {  	s22 =	simm.s32 $0x18800;
	[tilespmem:s21+$0x0] =	vst v18;
	v17 =	vadd.s32 v1, v17  }
0xa3: {  	s23 =	simm.s32 $0x18710;
	[tilespmem:s22+$0x0] =	vst v17  }
0xa4: {  	s24 =	simm.s32 $0x10;
	s25 =	simm.s32 $0x20;
	v17 =	vld [tilespmem:s23+$0x0]  }
.LBB2_13:
0xa5: {  	p0 =	sne.s32 s25, $0x60;
	_ =	sdelay $0x1  }
0xa6: {  	v18 =	vor.u32 s24, v0;
	s24 =	smov.u32 s25  }
0xa7: {  	vm4 =	vlt.s32 v18, v16  }
0xa8: {  	v17 =	vsel vm4, v17, v15  }
.Ltmp8:
0xa9: {  	vm4 =	vgt.s32 v17, $0xFFFFFFFF;
	vm5 =	vgt.s32 v17, $0x0;
	(pc) =	sbr.rel @p0 .LBB2_13-.Ltmp8, $4  }
0xaa: {  	s21 =	sadd.s32 $0x10, s21;
	[tilespmem:s23+$0x0] =	vst v17;
	v18 =	vsel vm4, $0x3F800000, v9;
	v17 =	vnsel vm5, $0x0, v17  }
0xab: {  	s22 =	sadd.s32 $0x10, s22;
	[tilespmem:s21+$0x0] =	vst v18;
	v17 =	vadd.s32 v1, v17  }
0xac: {  	s23 =	sadd.s32 $0x10, s23;
	[tilespmem:s22+$0x0] =	vst v17  }
0xad: {  	s25 =	sadd.s32 $0x10, s25;
	v17 =	vld [tilespmem:s23+$0x0]  }
0xae: {  	_ =	sdelay $0x1  }
0xaf: {  	v18 =	vor.u32 s24, v0  }
0xb0: {  	vm4 =	vlt.s32 v18, v16  }
0xb1: {  	v15 =	vsel vm4, v17, v15  }
0xb2: {  	vm4 =	vgt.s32 v15, $0xFFFFFFFF;
	vm5 =	vgt.s32 v15, $0x0  }
0xb3: {  	s21 =	sadd.s32 $0x10, s21;
	[tilespmem:s23+$0x0] =	vst v15;
	v16 =	vsel vm4, $0x3F800000, v9;
	v15 =	vnsel vm5, $0x0, v15  }
0xb4: {  	s26 =	sadd.s32 $0x10, s22;
	[tilespmem:s21+$0x0] =	vst v16;
	v15 =	vadd.s32 v1, v15  }
0xb5: {  	s28 =	simm.s32 $0x0;
	[tilespmem:s26+$0x0] =	vst v15  }
0xb6: {  	v15 =	vld [tilespmem:s28+$0x18800];
	_ =	sdelay $0x4  }
0xb7: {  	(v2sf) =	vpush v15, $0x0;
	_ =	sdelay $0xe  }
0xb8: {  	s29 =	spop (v2sf)  }
0xb9: {  	s21 =	sshll.u32 s29, $0x4  }
0xba: {  	s30 =	sand.u32 $0x1FFFFFF0, s21  }
0xbb: {  	s31 =	simm.s32 $0x1;
	s21 =	simm.s32 $0x18880;
	s22 =	sadd.s32 s3, s30  }
0xbc: {  	[tilespmem:s21], [sflag:$0x1] =	stream.linear.gather [hbm4b:s22+s2], $0x80, $0x38;
	[tilespmem:$0x1F580] =	vst v63  }
0xbd: {  	s22 =	simm.s32 $0x8;
	v15 =	vld [tilespmem:s31+$0x18800]  }
.LBB2_15:
0xbe: {  	p0 =	sne.s32 s22, $0x19C;
	_ =	sdelay $0x3  }
0xbf: {  	(v2sf) =	vpush v15, $0x0;
	_ =	sdelay $0xe  }
0xc0: {  	s23 =	spop (v2sf)  }
.Ltmp9:
0xc1: {  	s23 =	sshll.u32 s23, $0x4;
	(pc) =	sbr.rel @p0 .LBB2_15-.Ltmp9, $4  }
0xc2: {  	s23 =	sand.u32 $0x1FFFFFF0, s23  }
0xc3: {  	s24 =	sshra.s32 s22, $0x2;
	s21 =	sadd.s32 $0x80, s21;
	s23 =	sadd.s32 s3, s23  }
0xc4: {  	[tilespmem:s21], [sflag:$0x1] =	stream.linear.gather [hbm4b:s23+s2], $0x80, $0x38;
	[tilespmem:$0x1F580] =	vst v63  }
0xc5: {  	s22 =	sadd.s32 $0x4, s22;
	v15 =	vld [tilespmem:s24+$0x18800]  }
0xc6: {  	_ =	sdelay $0x3  }
0xc7: {  	(v2sf) =	vpush v15, $0x0;
	_ =	sdelay $0xe  }
0xc8: {  	s22 =	spop (v2sf)  }
0xc9: {  	s22 =	sshll.u32 s22, $0x4  }
0xca: {  	s22 =	sand.u32 $0x1FFFFFF0, s22  }
0xcb: {  	s21 =	sadd.s32 $0x80, s21;
	s22 =	sadd.s32 s3, s22  }
0xcc: {  	[tilespmem:s21], [sflag:$0x1] =	stream.linear.gather [hbm4b:s22+s2], $0x80, $0x38;
	[tilespmem:$0x1F580] =	vst v63  }
0xcd: {  	_ =	swait.ge [sflag:s15], $0x3400  }
0xce: {  	[sflag:s15] =	ssyncset.done $0x0  }
0xcf: {  	s24 =	simm.s32 $0x18780;
	s25 =	simm.s32 $0x1;
	[sflag:s15] =	ssyncadd.s32 $0xFFFFCC00  }
0xd0: {  	s23 =	simm.s32 $0x0;
	s22 =	simm.s32 $0x0;
	s21 =	simm.s32 $0x188A0;
	v15 =	vld.msk [tilespmem:s24+$0x0 ss:$0x0], $0xffff  }
.LBB2_17:
0xd1: {  	p0 =	sne.s32 s25, $0x63;
	v16 =	vld [tilespmem:s21+$0xFFFFFFE0];
	_ =	sdelay $0x1  }
0xd2: {  	v17 =	vld [tilespmem:s21+$0xFFFFFFF0];
	_ =	sdelay $0x1  }
0xd3: {  	v18 =	vld [tilespmem:s21+$0x0]  }
0xd4: {  	v16 =	vmul.f32 v16, v15  }
0xd5: {  	v19 =	vld [tilespmem:s21+$0x10]  }
0xd6: {  	[tilespmem:s21+$0xFFFFFFE0] =	vst v16;
	vm4 =	vgt.f32 v16, $-1.000000000e+00;
	v17 =	vmul.f32 v17, v15  }
0xd7: {  	v16 =	vnsel vm4, $0xBF800000, v16;
	v20 =	vld [tilespmem:s21+$0x20]  }
0xd8: {  	vm5 =	vgt.f32 v17, v16;
	v18 =	vmul.f32 v18, v15  }
0xd9: {  	v16 =	vsel vm5, v17, v16  }
0xda: {  	[tilespmem:s21+$0x0] =	vst v18;
	vm6 =	vgt.f32 v18, v16;
	v19 =	vmul.f32 v19, v15  }
0xdb: {  	v16 =	vsel vm6, v18, v16  }
0xdc: {  	[tilespmem:s21+$0x10] =	vst v19;
	vm7 =	vgt.f32 v19, v16;
	v15 =	vmul.f32 v20, v15  }
0xdd: {  	v16 =	vsel vm7, v19, v16  }
0xde: {  	[tilespmem:s21+$0x20] =	vst v15;
	vm8 =	vgt.f32 v15, v16  }
0xdf: {  	v15 =	vsel vm8, v15, v16  }
0xe0: {  	(xrf0) =	vmax.scan.msk.f32 $0xffff, v15;
	_ =	sdelay $0x4  }
0xe1: {  	v16 =	vnsel vm4, $0x80000000, v8  }
0xe2: {  	v16 =	vsel vm5, v10, v16;
	v18, _, _ =	vpop (xrf0)  }
0xe3: {  	v16 =	vsel vm6, v11, v16;
	v18 =	vbroadcast v18, $0xF  }
0xe4: {  	v16 =	vsel vm7, v12, v16  }
0xe5: {  	vm4 =	veq.f32 v15, v18;
	v15 =	vsel vm8, v13, v16  }
0xe6: {  	v15 =	vnsel vm4, $0xC0000000, v15  }
0xe7: {  	(xrf0) =	vmin.scan.msk.u32 $0xffff, v15;
	_ =	sdelay $0x5  }
0xe8: {  	v15, _, _ =	vpop (xrf0)  }
0xe9: {  	(v2sf) =	vpush v15, $0xF;
	_ =	sdelay $0xc  }
0xea: {  	v15 =	vmov s23;
	s23 =	smov.u32 s25;
	_ =	sdelay $0x1  }
.Ltmp10:
0xeb: {  	s26 =	spop (v2sf);
	(pc) =	sbr.rel @p0 .LBB2_17-.Ltmp10, $4  }
0xec: {  	s26 =	sxor.u32 $0x80000000, s26  }
0xed: {  	[tilespmem:s21+$0xFFFFFFF0] =	vst v17;
	v16 =	vmov s26  }
0xee: {  	s24 =	sadd.s32 $0x1, s24;
	[tilespmem:v15+s16+$0x0] =	vst.idx.msk $0x1, v16  }
0xef: {  	s25 =	sadd.s32 $0x1, s25;
	s21 =	sadd.s32 $0x80, s21;
	v15 =	vld.msk [tilespmem:s24+$0x0 ss:$0x0], $0xffff  }
0xf0: {  	v16 =	vld [tilespmem:s21+$0xFFFFFFE0];
	_ =	sdelay $0x1  }
0xf1: {  	v17 =	vld [tilespmem:s21+$0xFFFFFFF0];
	_ =	sdelay $0x1  }
0xf2: {  	v18 =	vld [tilespmem:s21+$0x0]  }
0xf3: {  	v16 =	vmul.f32 v16, v15  }
0xf4: {  	v19 =	vld [tilespmem:s21+$0x10]  }
0xf5: {  	v17 =	vmul.f32 v17, v15;
	vm4 =	vgt.f32 v16, $-1.000000000e+00  }
0xf6: {  	v21 =	vld [tilespmem:s21+$0x20];
	v20 =	vnsel vm4, $0xBF800000, v16  }
0xf7: {  	v18 =	vmul.f32 v18, v15;
	vm5 =	vgt.f32 v17, v20  }
0xf8: {  	v20 =	vsel vm5, v17, v20  }
0xf9: {  	v19 =	vmul.f32 v19, v15;
	vm6 =	vgt.f32 v18, v20  }
0xfa: {  	v20 =	vsel vm6, v18, v20  }
0xfb: {  	v15 =	vmul.f32 v21, v15;
	vm7 =	vgt.f32 v19, v20  }
0xfc: {  	v20 =	vsel vm7, v19, v20  }
0xfd: {  	vm8 =	vgt.f32 v15, v20  }
0xfe: {  	v20 =	vsel vm8, v15, v20  }
0xff: {  	(xrf0) =	vmax.scan.msk.f32 $0xffff, v20;
	_ =	sdelay $0x4  }
0x100: {  	v63 =	vnsel vm4, $0x80000000, v8  }
0x101: {  	v21 =	vsel vm5, v10, v63;
	v22, _, _ =	vpop (xrf0)  }
0x102: {  	v21 =	vsel vm6, v11, v21;
	v22 =	vbroadcast v22, $0xF  }
0x103: {  	v21 =	vsel vm7, v12, v21  }
0x104: {  	vm4 =	veq.f32 v20, v22;
	v20 =	vsel vm8, v13, v21  }
0x105: {  	v20 =	vnsel vm4, $0xC0000000, v20  }
0x106: {  	(xrf0) =	vmin.scan.msk.u32 $0xffff, v20;
	_ =	sdelay $0x5  }
0x107: {  	v20, _, _ =	vpop (xrf0)  }
0x108: {  	(v2sf) =	vpush v20, $0xF;
	_ =	sdelay $0xc  }
0x109: {  	[tilespmem:s21+$0xFFFFFFE0] =	vst v16;
	v16 =	vmov s23  }
0x10a: {  	[tilespmem:s21+$0x0] =	vst v18;
	v18 =	vor.u32 s22, v14  }
0x10b: {  	[tilespmem:s21+$0x10] =	vst v19;
	s30 =	spop (v2sf)  }
0x10c: {  	[tilespmem:s21+$0x20] =	vst v15;
	s22 =	sxor.u32 $0x80000000, s30  }
0x10d: {  	[tilespmem:s21+$0xFFFFFFF0] =	vst v17;
	v15 =	vmov s22  }
0x10e: {  	[tilespmem:v16+s16+$0x0] =	vst.idx.msk $0x1, v15  }
0x10f: {  	v15 =	vld.idx.msk [tilespmem:v18+s14+$0x0], $0xffff;
	_ =	sdelay $0x4  }
0x110: {  	vm4 =	vgt.s32 v15, $0x0  }
0x111: {  	v15 =	vnsel vm4, $0x0, v15  }
0x112: {  	v15 =	vshll.u32 v15, $0x2  }
0x113: {  	v15 =	vor.u32 v4, v15;
	_ =	sdelay $0x3  }
0x114: {  	v16 =	vld.idx.msk [tilespmem:v18+s17+$0x0], $0xffff  }
0x115: {  	v17 =	vld.idx.msk [tilespmem:v15+s2+$0x0], $0xffff  }
0x116: {  	v18 =	vshll.u32 v18, $0x7  }
0x117: {  	s31 =	simm.s32 $0x4;
	v18 =	vor.u32 v4, v18  }
0x118: {  	s21 =	simm.s32 $0x8;
	v15 =	vor.u32 s31, v14  }
.LBB2_19:
0x119: {  	p0 =	sne.s32 s21, $0x60  }
0x11a: {  	v16 =	vmul.f32 v17, v16;
	_ =	sdelay $0x1  }
0x11b: {  	[tilespmem:v18+s18+$0x0] =	vst.idx.msk $0xffff, v16  }
0x11c: {  	v16 =	vld.idx.msk [tilespmem:v15+s14+$0x0], $0xffff;
	_ =	sdelay $0x5  }
0x11d: {  	vm4 =	vgt.s32 v16, $0x0  }
0x11e: {  	v16 =	vnsel vm4, $0x0, v16  }
0x11f: {  	v16 =	vshll.u32 v16, $0x2  }
0x120: {  	v17 =	vor.u32 v4, v16;
	_ =	sdelay $0x3  }
0x121: {  	v16 =	vld.idx.msk [tilespmem:v15+s17+$0x0], $0xffff  }
.Ltmp11:
0x122: {  	v17 =	vld.idx.msk [tilespmem:v17+s2+$0x0], $0xffff;
	(pc) =	sbr.rel @p0 .LBB2_19-.Ltmp11, $4  }
0x123: {  	_ = 	snop  }
0x124: {  	v15 =	vshll.u32 v15, $0x7  }
0x125: {  	v18 =	vor.u32 v4, v15  }
0x126: {  	v15 =	vor.u32 s21, v14;
	s21 =	sadd.s32 $0x4, s21  }
0x127: {  	_ =	sdelay $0x1  }
0x128: {  	v16 =	vmul.f32 v17, v16;
	_ =	sdelay $0x1  }
0x129: {  	[tilespmem:v18+s18+$0x0] =	vst.idx.msk $0xffff, v16  }
0x12a: {  	v16 =	vld.idx.msk [tilespmem:v15+s14+$0x0], $0xffff;
	_ =	sdelay $0x4  }
0x12b: {  	vm4 =	vgt.s32 v16, $0x0  }
0x12c: {  	v16 =	vnsel vm4, $0x0, v16  }
0x12d: {  	v16 =	vshll.u32 v16, $0x2  }
0x12e: {  	v16 =	vor.u32 v4, v16;
	_ =	sdelay $0x3  }
0x12f: {  	v63 =	vld.idx.msk [tilespmem:v15+s17+$0x0], $0xffff  }
0x130: {  	v16 =	vld.idx.msk [tilespmem:v16+s2+$0x0], $0xffff  }
0x131: {  	v15 =	vshll.u32 v15, $0x7  }
0x132: {  	v15 =	vor.u32 v4, v15;
	_ =	sdelay $0x2  }
0x133: {  	v16 =	vmul.f32 v16, v63;
	_ =	sdelay $0x1  }
0x134: {  	[tilespmem:v15+s18+$0x0] =	vst.idx.msk $0xffff, v16  }
0x135: {  	[hbm4b:s5+s2] =	stream.linear.scatter [tilespmem:s19], [sflag:$0x2], $0x3200, $0x38;
	[tilespmem:$0x1F580] =	vst v63  }
0x136: {  	_ =	swait.ge [sflag:s12], $0x3200  }
0x137: {  	[sflag:s12] =	ssyncset.done $0x0  }
0x138: {  	[sflag:s12] =	ssyncadd.s32 $0xFFFFCE00  }
0x139: {  	[hbm4b:s6+s2] =	stream.linear.scatter [tilespmem:s18], [sflag:$0x2], $0x3200, $0x38;
	[tilespmem:$0x1F580] =	vst v63  }
0x13a: {  	s20 =	sadd.s32 $0x1, s20;
	_ =	swait.ge [sflag:s12], $0x3200  }
0x13b: {  	p0 =	sne.s32 s20, s9;
	[sflag:s12] =	ssyncset.done $0x0  }
.Ltmp12:
0x13c: {  	[sflag:s12] =	ssyncadd.s32 $0xFFFFCE00;
	(pc) =	sbr.rel @p0 .LBB2_2-.Ltmp12, $4  }
0x13d: {  	[hbm4b:s7+s2] =	stream.linear.scatter [tilespmem:s16], [sflag:$0x2], $0x80, $0x38;
	[tilespmem:$0x1F580] =	vst v63  }
0x13e: {  	_ =	swait.ge [sflag:s12], $0x80  }
0x13f: {  	[sflag:s12] =	ssyncset.done $0x0  }
0x140: {  	[sflag:s12] =	ssyncadd.s32 $0xFFFFFF80  }
.LBB2_21:
0x141: {  	_ =	sfence.sel $0x180000  }
0x142: {  	[bflag:$0x0] =	sbarrier.arrive $0xFFFF  }
0x143: {  	p0 =	sne.s32 s1, $0x0;
	_ =	strace $0x90000047  }
0x144: {  	s0 =	sadd.s32 @!p0 $0x100000, s0;
	[bflag:$0x2] =	sbarrier.arrive $0xFFFF  }
0x145: {  	[sflag:s0] =	ssyncadd.tile.s32 @!p0 $0x1;
	_ =	shalt  }
.Lfunc_end2:
_tile_overlayer_lowered:
.L_overlay_start_2:
0x146: {  	(tag) =	ssettag $0x2  }
0x147: {  	s0 =	rddreg [dreg:$0x0];
	s2 =	stileid.u32  }
0x148: {  	s1 =	rddreg [dreg:$0x1];
	p0 =	sne.s32 s2, $0x0  }
0x149: {  	s3 =	rddreg [dreg:$0x2];
	[bflag:$0x3] =	sbarrier.arrive $0xFFFF;
	s2 =	simm.s32 @!p0 $0x1C02  }
0x14a: {  	[timem:s3], [sflag:s2] =	dma.local @!p0 [hbm:s0], s1  }
0x14b: {  	s0 =	simm.s32 @!p0 $0x2  }
0x14c: {  	_ =	swait.ge @!p0 [sflag:s0], s1  }
0x14d: {  	s1 =	ssub.s32 @!p0 $0x0, s1;
	[sflag:s0] =	ssyncset.done @!p0 $0x0  }
0x14e: {  	[sflag:s0] =	ssyncadd.s32 @!p0 s1  }
0x14f: {  	[bflag:$0x3] =	sbarrier.arrive $0xFFFF  }
0x150: {  	_ =	shalt  }

</sc_bundles>
